<compile_context>
chip_gen: v7x
topology: tpu7x:2x2x1
jax: 0.10.2.dev20260603
libtpu: 0.0.44.dev20260713+nightly
codegen_flags: <defaults>
</compile_context>

<pallas_src>
import functools

import jax
import jax.numpy as jnp
from jax import lax
from jax.experimental import pallas as pl
from jax.experimental.pallas import tpu as pltpu
from jax.experimental.pallas import tpu_sc as plsc

NUM_CLASSES = 100000
EMBED_DIM = 128
BATCH = 4096
SEQ = 50

NC = 2
NS = 16
NW = NC * NS

C = BATCH // NW
NBUF = 5
NITER = SEQ // NBUF


def _sc_gather(xt, table):
    mesh = plsc.VectorSubcoreMesh(
        core_axis_name="c", subcore_axis_name="s", num_cores=NC, num_subcores=NS
    )

    @functools.partial(
        pl.kernel,
        out_type=jax.ShapeDtypeStruct((SEQ, BATCH, EMBED_DIM), jnp.float32),
        mesh=mesh,
        scratch_types=[
            pltpu.VMEM((SEQ, C), jnp.int32),
            pltpu.VMEM((NBUF, C, EMBED_DIM), jnp.float32),
        ]
        + [pltpu.SemaphoreType.DMA] * (2 * NBUF),
        compiler_params=pltpu.CompilerParams(
            disable_bounds_checks=True, disable_semaphore_checks=True, skip_device_barrier=True
        ),
    )
    def k(xt_hbm, table_hbm, out_hbm, idx_v, rows_v, *sems):
        gsems, ssems = sems[:NBUF], sems[NBUF:]
        wid = lax.axis_index("s") * NC + lax.axis_index("c")
        col0 = wid * C
        pltpu.sync_copy(xt_hbm.at[:, pl.ds(col0, C)], idx_v)

        def gather(t, b):
            return pltpu.make_async_copy(
                table_hbm.at[idx_v.at[t]], rows_v.at[b], gsems[b]
            )

        def store(t, b):
            return pltpu.make_async_copy(
                rows_v.at[b], out_hbm.at[t, pl.ds(col0, C)], ssems[b]
            )

        for b in range(NBUF - 1):
            gather(b, b).start()

        def body(g, carry):
            for b in range(NBUF):
                t = g * NBUF + b
                pb = (b - 1) % NBUF
                gather(t, b).wait()
                store(t, b).start()
                if b == 0:
                    @pl.when(g > 0)
                    def _():
                        store(t - 1, pb).wait()

                else:
                    store(t - 1, pb).wait()

                @pl.when(t + NBUF - 1 < SEQ)
                def _():
                    gather(t + NBUF - 1, pb).start()

            return carry

        lax.fori_loop(0, NITER, body, 0)
        store(SEQ - 1, (SEQ - 1) % NBUF).wait()

    return k(xt, table)


def kernel(x, table):
    xt = x.astype(jnp.int32).T
    out = _sc_gather(xt, table)
    return out.transpose(1, 0, 2)

# --- scband reference (transcript-rebuilt; emitter-appended) ---
"""Pipeline reference for scband-trainable-orthogonal-embedding-78675210928793 (READ-ONLY COPY).

The authoritative reference and input builder live on the scoring server;
editing this copy changes nothing except your own understanding.
"""

import jax, jax.numpy as jnp
import numpy as np

NUM_CLASSES = 100000
EMBED_DIM = 128


def _init_table(key):
    # Orthogonal init: first min(num_classes, embed_dim) rows orthonormal via QR,
    # remaining rows unit-normalized random vectors.
    k = min(NUM_CLASSES, EMBED_DIM)
    k1, k2 = jax.random.split(key)
    a = jax.random.normal(k1, (EMBED_DIM, k), dtype=jnp.float32)
    q, _ = jnp.linalg.qr(a)
    ortho_rows = q.T  # (k, embed_dim)
    extra = jax.random.normal(k2, (NUM_CLASSES - k, EMBED_DIM), dtype=jnp.float32)
    extra = extra / jnp.clip(jnp.linalg.norm(extra, axis=-1, keepdims=True), 1e-08)
    return jnp.concatenate([ortho_rows, extra], axis=0)


def setup_inputs(seed: int = 0) -> dict:
    key = jax.random.key(seed)
    k_idx, k_tab = jax.random.split(key)
    x = jax.random.randint(k_idx, (4096, 50), 0, NUM_CLASSES, dtype=jnp.int64)
    table = _init_table(k_tab)
    return {"x": x, "table": table}


def reference(x, table):
    # Map integer labels (B, T) -> embeddings (B, T, embed_dim)
    return jnp.take(table, x.astype(jnp.int32), axis=0)

if __name__ == "__main__":
    import jax
    _d = setup_inputs()
    print(jax.jit(kernel)(*tuple(_d.values())))

</pallas_src>

<mosaic_0001>
#map = affine_map<(d0, d1) -> (0, 0)>
#map1 = affine_map<(d0, d1) -> (0, 0, 0)>
module attributes {stable_mosaic.version = 14 : i64} {
  func.func @k(%arg0: i32, %arg1: i32, %arg2: memref<50x4096xi32, #tpu.memory_space<hbm>>, %arg3: memref<100000x128xf32, #tpu.memory_space<hbm>>, %arg4: memref<50x4096x128xf32, #tpu.memory_space<hbm>>, %arg5: memref<50x128xi32, #tpu.memory_space<vmem>>, %arg6: memref<5x128x128xf32, #tpu.memory_space<vmem>>, %arg7: memref<!tpu.dma_semaphore, #tpu.memory_space<semaphore_mem>>, %arg8: memref<!tpu.dma_semaphore, #tpu.memory_space<semaphore_mem>>, %arg9: memref<!tpu.dma_semaphore, #tpu.memory_space<semaphore_mem>>, %arg10: memref<!tpu.dma_semaphore, #tpu.memory_space<semaphore_mem>>, %arg11: memref<!tpu.dma_semaphore, #tpu.memory_space<semaphore_mem>>, %arg12: memref<!tpu.dma_semaphore, #tpu.memory_space<semaphore_mem>>, %arg13: memref<!tpu.dma_semaphore, #tpu.memory_space<semaphore_mem>>, %arg14: memref<!tpu.dma_semaphore, #tpu.memory_space<semaphore_mem>>, %arg15: memref<!tpu.dma_semaphore, #tpu.memory_space<semaphore_mem>>, %arg16: memref<!tpu.dma_semaphore, #tpu.memory_space<semaphore_mem>>) attributes {dimension_semantics = [#tpu.dimension_semantics<core_parallel>, #tpu.dimension_semantics<subcore_parallel>], iteration_bounds = array<i64: 2, 16>, scalar_prefetch = 0 : i64, scratch_operands = 12 : i64, tpu.core_type = #tpu.core_type<sc_vector_subcore>, window_params = [{transform_indices = #map}, {transform_indices = #map}, {transform_indices = #map1}]} {
    %mul3A = arith.constant 2 : i32
    %mul3A_0 = arith.muli %arg1, %mul3A : i32
    %add3A = arith.addi %mul3A_0, %arg0 : i32
    %mul3A_1 = arith.constant 128 : i32
    %mul3A_2 = arith.muli %add3A, %mul3A_1 : i32
    "tpu.region"() ({
      %run_scoped3A = tpu.sem_alloc : memref<!tpu.dma_semaphore, #tpu.memory_space<semaphore_mem>>
      %dma_start3A_70 = arith.constant 0 : i32
      %dma_start3A_71 = tpu.memref_slice %arg2[%dma_start3A_70, %mul3A_2] : memref<50x4096xi32, #tpu.memory_space<hbm>> -> memref<50x128xi32, #tpu.memory_space<hbm>>
      %dma_start3A_72 = arith.constant 0 : i32
      %dma_start3A_73 = tpu.memref_slice %arg2[%dma_start3A_72, %mul3A_2] : memref<50x4096xi32, #tpu.memory_space<hbm>> -> memref<50x128xi32, #tpu.memory_space<hbm>>
      tpu.enqueue_dma source(%dma_start3A_73 : memref<50x128xi32, #tpu.memory_space<hbm>>) target(%arg5 : memref<50x128xi32, #tpu.memory_space<vmem>>) target_semaphore(%run_scoped3A : memref<!tpu.dma_semaphore, #tpu.memory_space<semaphore_mem>>)
      %dma_wait3A_74 = arith.constant 0 : i32
      %dma_wait3A_75 = tpu.memref_slice %arg2[%dma_wait3A_74, %mul3A_2] : memref<50x4096xi32, #tpu.memory_space<hbm>> -> memref<50x128xi32, #tpu.memory_space<hbm>>
      %dma_wait3A_76 = arith.constant 0 : i32
      %dma_wait3A_77 = tpu.memref_slice %arg2[%dma_wait3A_76, %mul3A_2] : memref<50x4096xi32, #tpu.memory_space<hbm>> -> memref<50x128xi32, #tpu.memory_space<hbm>>
      tpu.wait_dma2 semaphore(%run_scoped3A : memref<!tpu.dma_semaphore, #tpu.memory_space<semaphore_mem>>) src(%dma_wait3A_77 : memref<50x128xi32, #tpu.memory_space<hbm>>) dst(%arg5 : memref<50x128xi32, #tpu.memory_space<vmem>>)
      tpu.yield
    }) : () -> ()
    %dma_start3A = arith.constant 0 : i32
    %dma_start3A_3 = arith.constant 0 : i32
    %dma_start3A_4 = arith.constant 0 : i32
    %dma_start3A_5 = arith.constant 0 : i32
    %dma_start3A_6 = tpu.memref_slice %arg6[%dma_start3A_3, %dma_start3A_4, %dma_start3A_5] : memref<5x128x128xf32, #tpu.memory_space<vmem>> -> memref<1x128x128xf32, #tpu.memory_space<vmem>>
    %dma_start3A_7 = tpu.memref_squeeze %dma_start3A_6 : memref<1x128x128xf32, #tpu.memory_space<vmem>> -> memref<128x128xf32, #tpu.memory_space<vmem>>
    %dma_start3A_8 = arith.constant 0 : i32
    %dma_start3A_9 = tpu.memref_slice %arg5[%dma_start3A, %dma_start3A_8] : memref<50x128xi32, #tpu.memory_space<vmem>> -> memref<1x128xi32, #tpu.memory_space<vmem>>
    %dma_start3A_10 = tpu.memref_squeeze %dma_start3A_9 : memref<1x128xi32, #tpu.memory_space<vmem>> -> memref<128xi32, #tpu.memory_space<vmem>>
    %dma_start3A_11 = arith.constant 0 : i32
    %dma_start3A_12 = arith.constant 0 : i32
    %dma_start3A_13 = tpu.memref_slice %arg3[%dma_start3A_11, %dma_start3A_12] : memref<100000x128xf32, #tpu.memory_space<hbm>> -> memref<100000x128xf32, #tpu.memory_space<hbm>>
    tpu.enqueue_indirect_dma source(%dma_start3A_13 : memref<100000x128xf32, #tpu.memory_space<hbm>>) target(%dma_start3A_7 : memref<128x128xf32, #tpu.memory_space<vmem>>) offsets(%dma_start3A_10 : memref<128xi32, #tpu.memory_space<vmem>>) semaphore(%arg7 : memref<!tpu.dma_semaphore, #tpu.memory_space<semaphore_mem>>)
    %dma_start3A_14 = arith.constant 1 : i32
    %dma_start3A_15 = arith.constant 1 : i32
    %dma_start3A_16 = arith.constant 0 : i32
    %dma_start3A_17 = arith.constant 0 : i32
    %dma_start3A_18 = tpu.memref_slice %arg6[%dma_start3A_15, %dma_start3A_16, %dma_start3A_17] : memref<5x128x128xf32, #tpu.memory_space<vmem>> -> memref<1x128x128xf32, #tpu.memory_space<vmem>>
    %dma_start3A_19 = tpu.memref_squeeze %dma_start3A_18 : memref<1x128x128xf32, #tpu.memory_space<vmem>> -> memref<128x128xf32, #tpu.memory_space<vmem>>
    %dma_start3A_20 = arith.constant 0 : i32
    %dma_start3A_21 = tpu.memref_slice %arg5[%dma_start3A_14, %dma_start3A_20] : memref<50x128xi32, #tpu.memory_space<vmem>> -> memref<1x128xi32, #tpu.memory_space<vmem>>
    %dma_start3A_22 = tpu.memref_squeeze %dma_start3A_21 : memref<1x128xi32, #tpu.memory_space<vmem>> -> memref<128xi32, #tpu.memory_space<vmem>>
    %dma_start3A_23 = arith.constant 0 : i32
    %dma_start3A_24 = arith.constant 0 : i32
    %dma_start3A_25 = tpu.memref_slice %arg3[%dma_start3A_23, %dma_start3A_24] : memref<100000x128xf32, #tpu.memory_space<hbm>> -> memref<100000x128xf32, #tpu.memory_space<hbm>>
    tpu.enqueue_indirect_dma source(%dma_start3A_25 : memref<100000x128xf32, #tpu.memory_space<hbm>>) target(%dma_start3A_19 : memref<128x128xf32, #tpu.memory_space<vmem>>) offsets(%dma_start3A_22 : memref<128xi32, #tpu.memory_space<vmem>>) semaphore(%arg8 : memref<!tpu.dma_semaphore, #tpu.memory_space<semaphore_mem>>)
    %dma_start3A_26 = arith.constant 2 : i32
    %dma_start3A_27 = arith.constant 2 : i32
    %dma_start3A_28 = arith.constant 0 : i32
    %dma_start3A_29 = arith.constant 0 : i32
    %dma_start3A_30 = tpu.memref_slice %arg6[%dma_start3A_27, %dma_start3A_28, %dma_start3A_29] : memref<5x128x128xf32, #tpu.memory_space<vmem>> -> memref<1x128x128xf32, #tpu.memory_space<vmem>>
    %dma_start3A_31 = tpu.memref_squeeze %dma_start3A_30 : memref<1x128x128xf32, #tpu.memory_space<vmem>> -> memref<128x128xf32, #tpu.memory_space<vmem>>
    %dma_start3A_32 = arith.constant 0 : i32
    %dma_start3A_33 = tpu.memref_slice %arg5[%dma_start3A_26, %dma_start3A_32] : memref<50x128xi32, #tpu.memory_space<vmem>> -> memref<1x128xi32, #tpu.memory_space<vmem>>
    %dma_start3A_34 = tpu.memref_squeeze %dma_start3A_33 : memref<1x128xi32, #tpu.memory_space<vmem>> -> memref<128xi32, #tpu.memory_space<vmem>>
    %dma_start3A_35 = arith.constant 0 : i32
    %dma_start3A_36 = arith.constant 0 : i32
    %dma_start3A_37 = tpu.memref_slice %arg3[%dma_start3A_35, %dma_start3A_36] : memref<100000x128xf32, #tpu.memory_space<hbm>> -> memref<100000x128xf32, #tpu.memory_space<hbm>>
    tpu.enqueue_indirect_dma source(%dma_start3A_37 : memref<100000x128xf32, #tpu.memory_space<hbm>>) target(%dma_start3A_31 : memref<128x128xf32, #tpu.memory_space<vmem>>) offsets(%dma_start3A_34 : memref<128xi32, #tpu.memory_space<vmem>>) semaphore(%arg9 : memref<!tpu.dma_semaphore, #tpu.memory_space<semaphore_mem>>)
    %dma_start3A_38 = arith.constant 3 : i32
    %dma_start3A_39 = arith.constant 3 : i32
    %dma_start3A_40 = arith.constant 0 : i32
    %dma_start3A_41 = arith.constant 0 : i32
    %dma_start3A_42 = tpu.memref_slice %arg6[%dma_start3A_39, %dma_start3A_40, %dma_start3A_41] : memref<5x128x128xf32, #tpu.memory_space<vmem>> -> memref<1x128x128xf32, #tpu.memory_space<vmem>>
    %dma_start3A_43 = tpu.memref_squeeze %dma_start3A_42 : memref<1x128x128xf32, #tpu.memory_space<vmem>> -> memref<128x128xf32, #tpu.memory_space<vmem>>
    %dma_start3A_44 = arith.constant 0 : i32
    %dma_start3A_45 = tpu.memref_slice %arg5[%dma_start3A_38, %dma_start3A_44] : memref<50x128xi32, #tpu.memory_space<vmem>> -> memref<1x128xi32, #tpu.memory_space<vmem>>
    %dma_start3A_46 = tpu.memref_squeeze %dma_start3A_45 : memref<1x128xi32, #tpu.memory_space<vmem>> -> memref<128xi32, #tpu.memory_space<vmem>>
    %dma_start3A_47 = arith.constant 0 : i32
    %dma_start3A_48 = arith.constant 0 : i32
    %dma_start3A_49 = tpu.memref_slice %arg3[%dma_start3A_47, %dma_start3A_48] : memref<100000x128xf32, #tpu.memory_space<hbm>> -> memref<100000x128xf32, #tpu.memory_space<hbm>>
    tpu.enqueue_indirect_dma source(%dma_start3A_49 : memref<100000x128xf32, #tpu.memory_space<hbm>>) target(%dma_start3A_43 : memref<128x128xf32, #tpu.memory_space<vmem>>) offsets(%dma_start3A_46 : memref<128xi32, #tpu.memory_space<vmem>>) semaphore(%arg10 : memref<!tpu.dma_semaphore, #tpu.memory_space<semaphore_mem>>)
    %scan3A = arith.constant 0 : i32
    %scan3A_50 = arith.constant 0 : i32
    %scan3A_51 = arith.constant 10 : i32
    %scan3A_52 = arith.addi %scan3A_50, %scan3A_51 : i32
    %scan3A_53 = arith.constant 1 : i32
    scf.for %scan3A_70 = %scan3A_50 to %scan3A_52 step %scan3A_53  : i32 {
      %mul3A_71 = arith.constant 5 : i32
      %mul3A_72 = arith.muli %scan3A_70, %mul3A_71 : i32
      %add3A_73 = arith.constant 0 : i32
      %add3A_74 = arith.addi %mul3A_72, %add3A_73 : i32
      %dma_wait3A_75 = arith.constant 0 : i32
      %dma_wait3A_76 = arith.constant 0 : i32
      %dma_wait3A_77 = arith.constant 0 : i32
      %dma_wait3A_78 = tpu.memref_slice %arg6[%dma_wait3A_75, %dma_wait3A_76, %dma_wait3A_77] : memref<5x128x128xf32, #tpu.memory_space<vmem>> -> memref<1x128x128xf32, #tpu.memory_space<vmem>>
      %dma_wait3A_79 = tpu.memref_squeeze %dma_wait3A_78 : memref<1x128x128xf32, #tpu.memory_space<vmem>> -> memref<128x128xf32, #tpu.memory_space<vmem>>
      %dma_wait3A_80 = arith.constant 0 : i32
      %dma_wait3A_81 = tpu.memref_slice %arg5[%add3A_74, %dma_wait3A_80] : memref<50x128xi32, #tpu.memory_space<vmem>> -> memref<1x128xi32, #tpu.memory_space<vmem>>
      %dma_wait3A_82 = tpu.memref_squeeze %dma_wait3A_81 : memref<1x128xi32, #tpu.memory_space<vmem>> -> memref<128xi32, #tpu.memory_space<vmem>>
      %dma_wait3A_83 = arith.constant 0 : i32
      %dma_wait3A_84 = arith.constant 0 : i32
      %dma_wait3A_85 = tpu.memref_slice %arg3[%dma_wait3A_83, %dma_wait3A_84] : memref<100000x128xf32, #tpu.memory_space<hbm>> -> memref<100000x128xf32, #tpu.memory_space<hbm>>
      tpu.wait_indirect_dma semaphore(%arg7 : memref<!tpu.dma_semaphore, #tpu.memory_space<semaphore_mem>>) src(%dma_wait3A_85 : memref<100000x128xf32, #tpu.memory_space<hbm>>) dst(%dma_wait3A_79 : memref<128x128xf32, #tpu.memory_space<vmem>>)
      %dma_start3A_86 = arith.constant 0 : i32
      %dma_start3A_87 = arith.constant 0 : i32
      %dma_start3A_88 = arith.constant 0 : i32
      %dma_start3A_89 = tpu.memref_slice %arg6[%dma_start3A_86, %dma_start3A_87, %dma_start3A_88] : memref<5x128x128xf32, #tpu.memory_space<vmem>> -> memref<1x128x128xf32, #tpu.memory_space<vmem>>
      %dma_start3A_90 = tpu.memref_squeeze %dma_start3A_89 : memref<1x128x128xf32, #tpu.memory_space<vmem>> -> memref<128x128xf32, #tpu.memory_space<vmem>>
      %dma_start3A_91 = arith.constant 0 : i32
      %dma_start3A_92 = tpu.memref_slice %arg4[%add3A_74, %mul3A_2, %dma_start3A_91] : memref<50x4096x128xf32, #tpu.memory_space<hbm>> -> memref<1x128x128xf32, #tpu.memory_space<hbm>>
      %dma_start3A_93 = tpu.memref_squeeze %dma_start3A_92 : memref<1x128x128xf32, #tpu.memory_space<hbm>> -> memref<128x128xf32, #tpu.memory_space<hbm>>
      %dma_start3A_94 = arith.constant 0 : i32
      %dma_start3A_95 = tpu.memref_slice %arg4[%add3A_74, %mul3A_2, %dma_start3A_94] : memref<50x4096x128xf32, #tpu.memory_space<hbm>> -> memref<1x128x128xf32, #tpu.memory_space<hbm>>
      %dma_start3A_96 = tpu.memref_squeeze %dma_start3A_95 : memref<1x128x128xf32, #tpu.memory_space<hbm>> -> memref<128x128xf32, #tpu.memory_space<hbm>>
      %dma_start3A_97 = arith.constant 0 : i32
      %dma_start3A_98 = arith.constant 0 : i32
      %dma_start3A_99 = tpu.memref_slice %arg6[%dma_start3A_86, %dma_start3A_97, %dma_start3A_98] : memref<5x128x128xf32, #tpu.memory_space<vmem>> -> memref<1x128x128xf32, #tpu.memory_space<vmem>>
      %dma_start3A_100 = tpu.memref_squeeze %dma_start3A_99 : memref<1x128x128xf32, #tpu.memory_space<vmem>> -> memref<128x128xf32, #tpu.memory_space<vmem>>
      tpu.enqueue_dma source(%dma_start3A_100 : memref<128x128xf32, #tpu.memory_space<vmem>>) target(%dma_start3A_96 : memref<128x128xf32, #tpu.memory_space<hbm>>) target_semaphore(%arg12 : memref<!tpu.dma_semaphore, #tpu.memory_space<semaphore_mem>>)
      %gt3A = arith.constant 0 : i32
      %gt3A_101 = arith.cmpi sgt, %scan3A_70, %gt3A : i32
      %convert_element_type3A = arith.extui %gt3A_101 : i1 to i32
      %cond3A = arith.constant 0 : i32
      %cond3A_102 = arith.cmpi ne, %convert_element_type3A, %cond3A : i32
      scf.if %cond3A_102 {
        %sub3A_334 = arith.constant 1 : i32
        %sub3A_335 = arith.subi %add3A_74, %sub3A_334 : i32
        %dma_wait3A_336 = arith.constant 4 : i32
        %dma_wait3A_337 = arith.constant 0 : i32
        %dma_wait3A_338 = arith.constant 0 : i32
        %dma_wait3A_339 = tpu.memref_slice %arg6[%dma_wait3A_336, %dma_wait3A_337, %dma_wait3A_338] : memref<5x128x128xf32, #tpu.memory_space<vmem>> -> memref<1x128x128xf32, #tpu.memory_space<vmem>>
        %dma_wait3A_340 = tpu.memref_squeeze %dma_wait3A_339 : memref<1x128x128xf32, #tpu.memory_space<vmem>> -> memref<128x128xf32, #tpu.memory_space<vmem>>
        %dma_wait3A_341 = arith.constant 0 : i32
        %dma_wait3A_342 = tpu.memref_slice %arg4[%sub3A_335, %mul3A_2, %dma_wait3A_341] : memref<50x4096x128xf32, #tpu.memory_space<hbm>> -> memref<1x128x128xf32, #tpu.memory_space<hbm>>
        %dma_wait3A_343 = tpu.memref_squeeze %dma_wait3A_342 : memref<1x128x128xf32, #tpu.memory_space<hbm>> -> memref<128x128xf32, #tpu.memory_space<hbm>>
        %dma_wait3A_344 = arith.constant 0 : i32
        %dma_wait3A_345 = tpu.memref_slice %arg4[%sub3A_335, %mul3A_2, %dma_wait3A_344] : memref<50x4096x128xf32, #tpu.memory_space<hbm>> -> memref<1x128x128xf32, #tpu.memory_space<hbm>>
        %dma_wait3A_346 = tpu.memref_squeeze %dma_wait3A_345 : memref<1x128x128xf32, #tpu.memory_space<hbm>> -> memref<128x128xf32, #tpu.memory_space<hbm>>
        %dma_wait3A_347 = arith.constant 0 : i32
        %dma_wait3A_348 = arith.constant 0 : i32
        %dma_wait3A_349 = tpu.memref_slice %arg6[%dma_wait3A_336, %dma_wait3A_347, %dma_wait3A_348] : memref<5x128x128xf32, #tpu.memory_space<vmem>> -> memref<1x128x128xf32, #tpu.memory_space<vmem>>
        %dma_wait3A_350 = tpu.memref_squeeze %dma_wait3A_349 : memref<1x128x128xf32, #tpu.memory_space<vmem>> -> memref<128x128xf32, #tpu.memory_space<vmem>>
        tpu.wait_dma2 semaphore(%arg16 : memref<!tpu.dma_semaphore, #tpu.memory_space<semaphore_mem>>) src(%dma_wait3A_350 : memref<128x128xf32, #tpu.memory_space<vmem>>) dst(%dma_wait3A_346 : memref<128x128xf32, #tpu.memory_space<hbm>>)
      } else {
      }
      %add3A_103 = arith.constant 5 : i32
      %add3A_104 = arith.addi %add3A_74, %add3A_103 : i32
      %sub3A = arith.constant 1 : i32
      %sub3A_105 = arith.subi %add3A_104, %sub3A : i32
      %lt3A = arith.constant 50 : i32
      %lt3A_106 = arith.cmpi slt, %sub3A_105, %lt3A : i32
      %convert_element_type3A_107 = arith.extui %lt3A_106 : i1 to i32
      %cond3A_108 = arith.constant 0 : i32
      %cond3A_109 = arith.cmpi ne, %convert_element_type3A_107, %cond3A_108 : i32
      scf.if %cond3A_109 {
        %add3A_334 = arith.constant 5 : i32
        %add3A_335 = arith.addi %add3A_74, %add3A_334 : i32
        %sub3A_336 = arith.constant 1 : i32
        %sub3A_337 = arith.subi %add3A_335, %sub3A_336 : i32
        %dma_start3A_338 = arith.constant 4 : i32
        %dma_start3A_339 = arith.constant 0 : i32
        %dma_start3A_340 = arith.constant 0 : i32
        %dma_start3A_341 = tpu.memref_slice %arg6[%dma_start3A_338, %dma_start3A_339, %dma_start3A_340] : memref<5x128x128xf32, #tpu.memory_space<vmem>> -> memref<1x128x128xf32, #tpu.memory_space<vmem>>
        %dma_start3A_342 = tpu.memref_squeeze %dma_start3A_341 : memref<1x128x128xf32, #tpu.memory_space<vmem>> -> memref<128x128xf32, #tpu.memory_space<vmem>>
        %dma_start3A_343 = arith.constant 0 : i32
        %dma_start3A_344 = tpu.memref_slice %arg5[%sub3A_337, %dma_start3A_343] : memref<50x128xi32, #tpu.memory_space<vmem>> -> memref<1x128xi32, #tpu.memory_space<vmem>>
        %dma_start3A_345 = tpu.memref_squeeze %dma_start3A_344 : memref<1x128xi32, #tpu.memory_space<vmem>> -> memref<128xi32, #tpu.memory_space<vmem>>
        %dma_start3A_346 = arith.constant 0 : i32
        %dma_start3A_347 = arith.constant 0 : i32
        %dma_start3A_348 = tpu.memref_slice %arg3[%dma_start3A_346, %dma_start3A_347] : memref<100000x128xf32, #tpu.memory_space<hbm>> -> memref<100000x128xf32, #tpu.memory_space<hbm>>
        tpu.enqueue_indirect_dma source(%dma_start3A_348 : memref<100000x128xf32, #tpu.memory_space<hbm>>) target(%dma_start3A_342 : memref<128x128xf32, #tpu.memory_space<vmem>>) offsets(%dma_start3A_345 : memref<128xi32, #tpu.memory_space<vmem>>) semaphore(%arg11 : memref<!tpu.dma_semaphore, #tpu.memory_space<semaphore_mem>>)
      } else {
      }
      %mul3A_110 = arith.constant 5 : i32
      %mul3A_111 = arith.muli %scan3A_70, %mul3A_110 : i32
      %add3A_112 = arith.constant 1 : i32
      %add3A_113 = arith.addi %mul3A_111, %add3A_112 : i32
      %dma_wait3A_114 = arith.constant 1 : i32
      %dma_wait3A_115 = arith.constant 0 : i32
      %dma_wait3A_116 = arith.constant 0 : i32
      %dma_wait3A_117 = tpu.memref_slice %arg6[%dma_wait3A_114, %dma_wait3A_115, %dma_wait3A_116] : memref<5x128x128xf32, #tpu.memory_space<vmem>> -> memref<1x128x128xf32, #tpu.memory_space<vmem>>
      %dma_wait3A_118 = tpu.memref_squeeze %dma_wait3A_117 : memref<1x128x128xf32, #tpu.memory_space<vmem>> -> memref<128x128xf32, #tpu.memory_space<vmem>>
      %dma_wait3A_119 = arith.constant 0 : i32
      %dma_wait3A_120 = tpu.memref_slice %arg5[%add3A_113, %dma_wait3A_119] : memref<50x128xi32, #tpu.memory_space<vmem>> -> memref<1x128xi32, #tpu.memory_space<vmem>>
      %dma_wait3A_121 = tpu.memref_squeeze %dma_wait3A_120 : memref<1x128xi32, #tpu.memory_space<vmem>> -> memref<128xi32, #tpu.memory_space<vmem>>
      %dma_wait3A_122 = arith.constant 0 : i32
      %dma_wait3A_123 = arith.constant 0 : i32
      %dma_wait3A_124 = tpu.memref_slice %arg3[%dma_wait3A_122, %dma_wait3A_123] : memref<100000x128xf32, #tpu.memory_space<hbm>> -> memref<100000x128xf32, #tpu.memory_space<hbm>>
      tpu.wait_indirect_dma semaphore(%arg8 : memref<!tpu.dma_semaphore, #tpu.memory_space<semaphore_mem>>) src(%dma_wait3A_124 : memref<100000x128xf32, #tpu.memory_space<hbm>>) dst(%dma_wait3A_118 : memref<128x128xf32, #tpu.memory_space<vmem>>)
      %dma_start3A_125 = arith.constant 1 : i32
      %dma_start3A_126 = arith.constant 0 : i32
      %dma_start3A_127 = arith.constant 0 : i32
      %dma_start3A_128 = tpu.memref_slice %arg6[%dma_start3A_125, %dma_start3A_126, %dma_start3A_127] : memref<5x128x128xf32, #tpu.memory_space<vmem>> -> memref<1x128x128xf32, #tpu.memory_space<vmem>>
      %dma_start3A_129 = tpu.memref_squeeze %dma_start3A_128 : memref<1x128x128xf32, #tpu.memory_space<vmem>> -> memref<128x128xf32, #tpu.memory_space<vmem>>
      %dma_start3A_130 = arith.constant 0 : i32
      %dma_start3A_131 = tpu.memref_slice %arg4[%add3A_113, %mul3A_2, %dma_start3A_130] : memref<50x4096x128xf32, #tpu.memory_space<hbm>> -> memref<1x128x128xf32, #tpu.memory_space<hbm>>
      %dma_start3A_132 = tpu.memref_squeeze %dma_start3A_131 : memref<1x128x128xf32, #tpu.memory_space<hbm>> -> memref<128x128xf32, #tpu.memory_space<hbm>>
      %dma_start3A_133 = arith.constant 0 : i32
      %dma_start3A_134 = tpu.memref_slice %arg4[%add3A_113, %mul3A_2, %dma_start3A_133] : memref<50x4096x128xf32, #tpu.memory_space<hbm>> -> memref<1x128x128xf32, #tpu.memory_space<hbm>>
      %dma_start3A_135 = tpu.memref_squeeze %dma_start3A_134 : memref<1x128x128xf32, #tpu.memory_space<hbm>> -> memref<128x128xf32, #tpu.memory_space<hbm>>
      %dma_start3A_136 = arith.constant 0 : i32
      %dma_start3A_137 = arith.constant 0 : i32
      %dma_start3A_138 = tpu.memref_slice %arg6[%dma_start3A_125, %dma_start3A_136, %dma_start3A_137] : memref<5x128x128xf32, #tpu.memory_space<vmem>> -> memref<1x128x128xf32, #tpu.memory_space<vmem>>
      %dma_start3A_139 = tpu.memref_squeeze %dma_start3A_138 : memref<1x128x128xf32, #tpu.memory_space<vmem>> -> memref<128x128xf32, #tpu.memory_space<vmem>>
      tpu.enqueue_dma source(%dma_start3A_139 : memref<128x128xf32, #tpu.memory_space<vmem>>) target(%dma_start3A_135 : memref<128x128xf32, #tpu.memory_space<hbm>>) target_semaphore(%arg13 : memref<!tpu.dma_semaphore, #tpu.memory_space<semaphore_mem>>)
      %sub3A_140 = arith.constant 1 : i32
      %sub3A_141 = arith.subi %add3A_113, %sub3A_140 : i32
      %dma_wait3A_142 = arith.constant 0 : i32
      %dma_wait3A_143 = arith.constant 0 : i32
      %dma_wait3A_144 = arith.constant 0 : i32
      %dma_wait3A_145 = tpu.memref_slice %arg6[%dma_wait3A_142, %dma_wait3A_143, %dma_wait3A_144] : memref<5x128x128xf32, #tpu.memory_space<vmem>> -> memref<1x128x128xf32, #tpu.memory_space<vmem>>
      %dma_wait3A_146 = tpu.memref_squeeze %dma_wait3A_145 : memref<1x128x128xf32, #tpu.memory_space<vmem>> -> memref<128x128xf32, #tpu.memory_space<vmem>>
      %dma_wait3A_147 = arith.constant 0 : i32
      %dma_wait3A_148 = tpu.memref_slice %arg4[%sub3A_141, %mul3A_2, %dma_wait3A_147] : memref<50x4096x128xf32, #tpu.memory_space<hbm>> -> memref<1x128x128xf32, #tpu.memory_space<hbm>>
      %dma_wait3A_149 = tpu.memref_squeeze %dma_wait3A_148 : memref<1x128x128xf32, #tpu.memory_space<hbm>> -> memref<128x128xf32, #tpu.memory_space<hbm>>
      %dma_wait3A_150 = arith.constant 0 : i32
      %dma_wait3A_151 = tpu.memref_slice %arg4[%sub3A_141, %mul3A_2, %dma_wait3A_150] : memref<50x4096x128xf32, #tpu.memory_space<hbm>> -> memref<1x128x128xf32, #tpu.memory_space<hbm>>
      %dma_wait3A_152 = tpu.memref_squeeze %dma_wait3A_151 : memref<1x128x128xf32, #tpu.memory_space<hbm>> -> memref<128x128xf32, #tpu.memory_space<hbm>>
      %dma_wait3A_153 = arith.constant 0 : i32
      %dma_wait3A_154 = arith.constant 0 : i32
      %dma_wait3A_155 = tpu.memref_slice %arg6[%dma_wait3A_142, %dma_wait3A_153, %dma_wait3A_154] : memref<5x128x128xf32, #tpu.memory_space<vmem>> -> memref<1x128x128xf32, #tpu.memory_space<vmem>>
      %dma_wait3A_156 = tpu.memref_squeeze %dma_wait3A_155 : memref<1x128x128xf32, #tpu.memory_space<vmem>> -> memref<128x128xf32, #tpu.memory_space<vmem>>
      tpu.wait_dma2 semaphore(%arg12 : memref<!tpu.dma_semaphore, #tpu.memory_space<semaphore_mem>>) src(%dma_wait3A_156 : memref<128x128xf32, #tpu.memory_space<vmem>>) dst(%dma_wait3A_152 : memref<128x128xf32, #tpu.memory_space<hbm>>)
      %add3A_157 = arith.constant 5 : i32
      %add3A_158 = arith.addi %add3A_113, %add3A_157 : i32
      %sub3A_159 = arith.constant 1 : i32
      %sub3A_160 = arith.subi %add3A_158, %sub3A_159 : i32
      %lt3A_161 = arith.constant 50 : i32
      %lt3A_162 = arith.cmpi slt, %sub3A_160, %lt3A_161 : i32
      %convert_element_type3A_163 = arith.extui %lt3A_162 : i1 to i32
      %cond3A_164 = arith.constant 0 : i32
      %cond3A_165 = arith.cmpi ne, %convert_element_type3A_163, %cond3A_164 : i32
      scf.if %cond3A_165 {
        %add3A_334 = arith.constant 5 : i32
        %add3A_335 = arith.addi %add3A_113, %add3A_334 : i32
        %sub3A_336 = arith.constant 1 : i32
        %sub3A_337 = arith.subi %add3A_335, %sub3A_336 : i32
        %dma_start3A_338 = arith.constant 0 : i32
        %dma_start3A_339 = arith.constant 0 : i32
        %dma_start3A_340 = arith.constant 0 : i32
        %dma_start3A_341 = tpu.memref_slice %arg6[%dma_start3A_338, %dma_start3A_339, %dma_start3A_340] : memref<5x128x128xf32, #tpu.memory_space<vmem>> -> memref<1x128x128xf32, #tpu.memory_space<vmem>>
        %dma_start3A_342 = tpu.memref_squeeze %dma_start3A_341 : memref<1x128x128xf32, #tpu.memory_space<vmem>> -> memref<128x128xf32, #tpu.memory_space<vmem>>
        %dma_start3A_343 = arith.constant 0 : i32
        %dma_start3A_344 = tpu.memref_slice %arg5[%sub3A_337, %dma_start3A_343] : memref<50x128xi32, #tpu.memory_space<vmem>> -> memref<1x128xi32, #tpu.memory_space<vmem>>
        %dma_start3A_345 = tpu.memref_squeeze %dma_start3A_344 : memref<1x128xi32, #tpu.memory_space<vmem>> -> memref<128xi32, #tpu.memory_space<vmem>>
        %dma_start3A_346 = arith.constant 0 : i32
        %dma_start3A_347 = arith.constant 0 : i32
        %dma_start3A_348 = tpu.memref_slice %arg3[%dma_start3A_346, %dma_start3A_347] : memref<100000x128xf32, #tpu.memory_space<hbm>> -> memref<100000x128xf32, #tpu.memory_space<hbm>>
        tpu.enqueue_indirect_dma source(%dma_start3A_348 : memref<100000x128xf32, #tpu.memory_space<hbm>>) target(%dma_start3A_342 : memref<128x128xf32, #tpu.memory_space<vmem>>) offsets(%dma_start3A_345 : memref<128xi32, #tpu.memory_space<vmem>>) semaphore(%arg7 : memref<!tpu.dma_semaphore, #tpu.memory_space<semaphore_mem>>)
      } else {
      }
      %mul3A_166 = arith.constant 5 : i32
      %mul3A_167 = arith.muli %scan3A_70, %mul3A_166 : i32
      %add3A_168 = arith.constant 2 : i32
      %add3A_169 = arith.addi %mul3A_167, %add3A_168 : i32
      %dma_wait3A_170 = arith.constant 2 : i32
      %dma_wait3A_171 = arith.constant 0 : i32
      %dma_wait3A_172 = arith.constant 0 : i32
      %dma_wait3A_173 = tpu.memref_slice %arg6[%dma_wait3A_170, %dma_wait3A_171, %dma_wait3A_172] : memref<5x128x128xf32, #tpu.memory_space<vmem>> -> memref<1x128x128xf32, #tpu.memory_space<vmem>>
      %dma_wait3A_174 = tpu.memref_squeeze %dma_wait3A_173 : memref<1x128x128xf32, #tpu.memory_space<vmem>> -> memref<128x128xf32, #tpu.memory_space<vmem>>
      %dma_wait3A_175 = arith.constant 0 : i32
      %dma_wait3A_176 = tpu.memref_slice %arg5[%add3A_169, %dma_wait3A_175] : memref<50x128xi32, #tpu.memory_space<vmem>> -> memref<1x128xi32, #tpu.memory_space<vmem>>
      %dma_wait3A_177 = tpu.memref_squeeze %dma_wait3A_176 : memref<1x128xi32, #tpu.memory_space<vmem>> -> memref<128xi32, #tpu.memory_space<vmem>>
      %dma_wait3A_178 = arith.constant 0 : i32
      %dma_wait3A_179 = arith.constant 0 : i32
      %dma_wait3A_180 = tpu.memref_slice %arg3[%dma_wait3A_178, %dma_wait3A_179] : memref<100000x128xf32, #tpu.memory_space<hbm>> -> memref<100000x128xf32, #tpu.memory_space<hbm>>
      tpu.wait_indirect_dma semaphore(%arg9 : memref<!tpu.dma_semaphore, #tpu.memory_space<semaphore_mem>>) src(%dma_wait3A_180 : memref<100000x128xf32, #tpu.memory_space<hbm>>) dst(%dma_wait3A_174 : memref<128x128xf32, #tpu.memory_space<vmem>>)
      %dma_start3A_181 = arith.constant 2 : i32
      %dma_start3A_182 = arith.constant 0 : i32
      %dma_start3A_183 = arith.constant 0 : i32
      %dma_start3A_184 = tpu.memref_slice %arg6[%dma_start3A_181, %dma_start3A_182, %dma_start3A_183] : memref<5x128x128xf32, #tpu.memory_space<vmem>> -> memref<1x128x128xf32, #tpu.memory_space<vmem>>
      %dma_start3A_185 = tpu.memref_squeeze %dma_start3A_184 : memref<1x128x128xf32, #tpu.memory_space<vmem>> -> memref<128x128xf32, #tpu.memory_space<vmem>>
      %dma_start3A_186 = arith.constant 0 : i32
      %dma_start3A_187 = tpu.memref_slice %arg4[%add3A_169, %mul3A_2, %dma_start3A_186] : memref<50x4096x128xf32, #tpu.memory_space<hbm>> -> memref<1x128x128xf32, #tpu.memory_space<hbm>>
      %dma_start3A_188 = tpu.memref_squeeze %dma_start3A_187 : memref<1x128x128xf32, #tpu.memory_space<hbm>> -> memref<128x128xf32, #tpu.memory_space<hbm>>
      %dma_start3A_189 = arith.constant 0 : i32
      %dma_start3A_190 = tpu.memref_slice %arg4[%add3A_169, %mul3A_2, %dma_start3A_189] : memref<50x4096x128xf32, #tpu.memory_space<hbm>> -> memref<1x128x128xf32, #tpu.memory_space<hbm>>
      %dma_start3A_191 = tpu.memref_squeeze %dma_start3A_190 : memref<1x128x128xf32, #tpu.memory_space<hbm>> -> memref<128x128xf32, #tpu.memory_space<hbm>>
      %dma_start3A_192 = arith.constant 0 : i32
      %dma_start3A_193 = arith.constant 0 : i32
      %dma_start3A_194 = tpu.memref_slice %arg6[%dma_start3A_181, %dma_start3A_192, %dma_start3A_193] : memref<5x128x128xf32, #tpu.memory_space<vmem>> -> memref<1x128x128xf32, #tpu.memory_space<vmem>>
      %dma_start3A_195 = tpu.memref_squeeze %dma_start3A_194 : memref<1x128x128xf32, #tpu.memory_space<vmem>> -> memref<128x128xf32, #tpu.memory_space<vmem>>
      tpu.enqueue_dma source(%dma_start3A_195 : memref<128x128xf32, #tpu.memory_space<vmem>>) target(%dma_start3A_191 : memref<128x128xf32, #tpu.memory_space<hbm>>) target_semaphore(%arg14 : memref<!tpu.dma_semaphore, #tpu.memory_space<semaphore_mem>>)
      %sub3A_196 = arith.constant 1 : i32
      %sub3A_197 = arith.subi %add3A_169, %sub3A_196 : i32
      %dma_wait3A_198 = arith.constant 1 : i32
      %dma_wait3A_199 = arith.constant 0 : i32
      %dma_wait3A_200 = arith.constant 0 : i32
      %dma_wait3A_201 = tpu.memref_slice %arg6[%dma_wait3A_198, %dma_wait3A_199, %dma_wait3A_200] : memref<5x128x128xf32, #tpu.memory_space<vmem>> -> memref<1x128x128xf32, #tpu.memory_space<vmem>>
      %dma_wait3A_202 = tpu.memref_squeeze %dma_wait3A_201 : memref<1x128x128xf32, #tpu.memory_space<vmem>> -> memref<128x128xf32, #tpu.memory_space<vmem>>
      %dma_wait3A_203 = arith.constant 0 : i32
      %dma_wait3A_204 = tpu.memref_slice %arg4[%sub3A_197, %mul3A_2, %dma_wait3A_203] : memref<50x4096x128xf32, #tpu.memory_space<hbm>> -> memref<1x128x128xf32, #tpu.memory_space<hbm>>
      %dma_wait3A_205 = tpu.memref_squeeze %dma_wait3A_204 : memref<1x128x128xf32, #tpu.memory_space<hbm>> -> memref<128x128xf32, #tpu.memory_space<hbm>>
      %dma_wait3A_206 = arith.constant 0 : i32
      %dma_wait3A_207 = tpu.memref_slice %arg4[%sub3A_197, %mul3A_2, %dma_wait3A_206] : memref<50x4096x128xf32, #tpu.memory_space<hbm>> -> memref<1x128x128xf32, #tpu.memory_space<hbm>>
      %dma_wait3A_208 = tpu.memref_squeeze %dma_wait3A_207 : memref<1x128x128xf32, #tpu.memory_space<hbm>> -> memref<128x128xf32, #tpu.memory_space<hbm>>
      %dma_wait3A_209 = arith.constant 0 : i32
      %dma_wait3A_210 = arith.constant 0 : i32
      %dma_wait3A_211 = tpu.memref_slice %arg6[%dma_wait3A_198, %dma_wait3A_209, %dma_wait3A_210] : memref<5x128x128xf32, #tpu.memory_space<vmem>> -> memref<1x128x128xf32, #tpu.memory_space<vmem>>
      %dma_wait3A_212 = tpu.memref_squeeze %dma_wait3A_211 : memref<1x128x128xf32, #tpu.memory_space<vmem>> -> memref<128x128xf32, #tpu.memory_space<vmem>>
      tpu.wait_dma2 semaphore(%arg13 : memref<!tpu.dma_semaphore, #tpu.memory_space<semaphore_mem>>) src(%dma_wait3A_212 : memref<128x128xf32, #tpu.memory_space<vmem>>) dst(%dma_wait3A_208 : memref<128x128xf32, #tpu.memory_space<hbm>>)
      %add3A_213 = arith.constant 5 : i32
      %add3A_214 = arith.addi %add3A_169, %add3A_213 : i32
      %sub3A_215 = arith.constant 1 : i32
      %sub3A_216 = arith.subi %add3A_214, %sub3A_215 : i32
      %lt3A_217 = arith.constant 50 : i32
      %lt3A_218 = arith.cmpi slt, %sub3A_216, %lt3A_217 : i32
      %convert_element_type3A_219 = arith.extui %lt3A_218 : i1 to i32
      %cond3A_220 = arith.constant 0 : i32
      %cond3A_221 = arith.cmpi ne, %convert_element_type3A_219, %cond3A_220 : i32
      scf.if %cond3A_221 {
        %add3A_334 = arith.constant 5 : i32
        %add3A_335 = arith.addi %add3A_169, %add3A_334 : i32
        %sub3A_336 = arith.constant 1 : i32
        %sub3A_337 = arith.subi %add3A_335, %sub3A_336 : i32
        %dma_start3A_338 = arith.constant 1 : i32
        %dma_start3A_339 = arith.constant 0 : i32
        %dma_start3A_340 = arith.constant 0 : i32
        %dma_start3A_341 = tpu.memref_slice %arg6[%dma_start3A_338, %dma_start3A_339, %dma_start3A_340] : memref<5x128x128xf32, #tpu.memory_space<vmem>> -> memref<1x128x128xf32, #tpu.memory_space<vmem>>
        %dma_start3A_342 = tpu.memref_squeeze %dma_start3A_341 : memref<1x128x128xf32, #tpu.memory_space<vmem>> -> memref<128x128xf32, #tpu.memory_space<vmem>>
        %dma_start3A_343 = arith.constant 0 : i32
        %dma_start3A_344 = tpu.memref_slice %arg5[%sub3A_337, %dma_start3A_343] : memref<50x128xi32, #tpu.memory_space<vmem>> -> memref<1x128xi32, #tpu.memory_space<vmem>>
        %dma_start3A_345 = tpu.memref_squeeze %dma_start3A_344 : memref<1x128xi32, #tpu.memory_space<vmem>> -> memref<128xi32, #tpu.memory_space<vmem>>
        %dma_start3A_346 = arith.constant 0 : i32
        %dma_start3A_347 = arith.constant 0 : i32
        %dma_start3A_348 = tpu.memref_slice %arg3[%dma_start3A_346, %dma_start3A_347] : memref<100000x128xf32, #tpu.memory_space<hbm>> -> memref<100000x128xf32, #tpu.memory_space<hbm>>
        tpu.enqueue_indirect_dma source(%dma_start3A_348 : memref<100000x128xf32, #tpu.memory_space<hbm>>) target(%dma_start3A_342 : memref<128x128xf32, #tpu.memory_space<vmem>>) offsets(%dma_start3A_345 : memref<128xi32, #tpu.memory_space<vmem>>) semaphore(%arg8 : memref<!tpu.dma_semaphore, #tpu.memory_space<semaphore_mem>>)
      } else {
      }
      %mul3A_222 = arith.constant 5 : i32
      %mul3A_223 = arith.muli %scan3A_70, %mul3A_222 : i32
      %add3A_224 = arith.constant 3 : i32
      %add3A_225 = arith.addi %mul3A_223, %add3A_224 : i32
      %dma_wait3A_226 = arith.constant 3 : i32
      %dma_wait3A_227 = arith.constant 0 : i32
      %dma_wait3A_228 = arith.constant 0 : i32
      %dma_wait3A_229 = tpu.memref_slice %arg6[%dma_wait3A_226, %dma_wait3A_227, %dma_wait3A_228] : memref<5x128x128xf32, #tpu.memory_space<vmem>> -> memref<1x128x128xf32, #tpu.memory_space<vmem>>
      %dma_wait3A_230 = tpu.memref_squeeze %dma_wait3A_229 : memref<1x128x128xf32, #tpu.memory_space<vmem>> -> memref<128x128xf32, #tpu.memory_space<vmem>>
      %dma_wait3A_231 = arith.constant 0 : i32
      %dma_wait3A_232 = tpu.memref_slice %arg5[%add3A_225, %dma_wait3A_231] : memref<50x128xi32, #tpu.memory_space<vmem>> -> memref<1x128xi32, #tpu.memory_space<vmem>>
      %dma_wait3A_233 = tpu.memref_squeeze %dma_wait3A_232 : memref<1x128xi32, #tpu.memory_space<vmem>> -> memref<128xi32, #tpu.memory_space<vmem>>
      %dma_wait3A_234 = arith.constant 0 : i32
      %dma_wait3A_235 = arith.constant 0 : i32
      %dma_wait3A_236 = tpu.memref_slice %arg3[%dma_wait3A_234, %dma_wait3A_235] : memref<100000x128xf32, #tpu.memory_space<hbm>> -> memref<100000x128xf32, #tpu.memory_space<hbm>>
      tpu.wait_indirect_dma semaphore(%arg10 : memref<!tpu.dma_semaphore, #tpu.memory_space<semaphore_mem>>) src(%dma_wait3A_236 : memref<100000x128xf32, #tpu.memory_space<hbm>>) dst(%dma_wait3A_230 : memref<128x128xf32, #tpu.memory_space<vmem>>)
      %dma_start3A_237 = arith.constant 3 : i32
      %dma_start3A_238 = arith.constant 0 : i32
      %dma_start3A_239 = arith.constant 0 : i32
      %dma_start3A_240 = tpu.memref_slice %arg6[%dma_start3A_237, %dma_start3A_238, %dma_start3A_239] : memref<5x128x128xf32, #tpu.memory_space<vmem>> -> memref<1x128x128xf32, #tpu.memory_space<vmem>>
      %dma_start3A_241 = tpu.memref_squeeze %dma_start3A_240 : memref<1x128x128xf32, #tpu.memory_space<vmem>> -> memref<128x128xf32, #tpu.memory_space<vmem>>
      %dma_start3A_242 = arith.constant 0 : i32
      %dma_start3A_243 = tpu.memref_slice %arg4[%add3A_225, %mul3A_2, %dma_start3A_242] : memref<50x4096x128xf32, #tpu.memory_space<hbm>> -> memref<1x128x128xf32, #tpu.memory_space<hbm>>
      %dma_start3A_244 = tpu.memref_squeeze %dma_start3A_243 : memref<1x128x128xf32, #tpu.memory_space<hbm>> -> memref<128x128xf32, #tpu.memory_space<hbm>>
      %dma_start3A_245 = arith.constant 0 : i32
      %dma_start3A_246 = tpu.memref_slice %arg4[%add3A_225, %mul3A_2, %dma_start3A_245] : memref<50x4096x128xf32, #tpu.memory_space<hbm>> -> memref<1x128x128xf32, #tpu.memory_space<hbm>>
      %dma_start3A_247 = tpu.memref_squeeze %dma_start3A_246 : memref<1x128x128xf32, #tpu.memory_space<hbm>> -> memref<128x128xf32, #tpu.memory_space<hbm>>
      %dma_start3A_248 = arith.constant 0 : i32
      %dma_start3A_249 = arith.constant 0 : i32
      %dma_start3A_250 = tpu.memref_slice %arg6[%dma_start3A_237, %dma_start3A_248, %dma_start3A_249] : memref<5x128x128xf32, #tpu.memory_space<vmem>> -> memref<1x128x128xf32, #tpu.memory_space<vmem>>
      %dma_start3A_251 = tpu.memref_squeeze %dma_start3A_250 : memref<1x128x128xf32, #tpu.memory_space<vmem>> -> memref<128x128xf32, #tpu.memory_space<vmem>>
      tpu.enqueue_dma source(%dma_start3A_251 : memref<128x128xf32, #tpu.memory_space<vmem>>) target(%dma_start3A_247 : memref<128x128xf32, #tpu.memory_space<hbm>>) target_semaphore(%arg15 : memref<!tpu.dma_semaphore, #tpu.memory_space<semaphore_mem>>)
      %sub3A_252 = arith.constant 1 : i32
      %sub3A_253 = arith.subi %add3A_225, %sub3A_252 : i32
      %dma_wait3A_254 = arith.constant 2 : i32
      %dma_wait3A_255 = arith.constant 0 : i32
      %dma_wait3A_256 = arith.constant 0 : i32
      %dma_wait3A_257 = tpu.memref_slice %arg6[%dma_wait3A_254, %dma_wait3A_255, %dma_wait3A_256] : memref<5x128x128xf32, #tpu.memory_space<vmem>> -> memref<1x128x128xf32, #tpu.memory_space<vmem>>
      %dma_wait3A_258 = tpu.memref_squeeze %dma_wait3A_257 : memref<1x128x128xf32, #tpu.memory_space<vmem>> -> memref<128x128xf32, #tpu.memory_space<vmem>>
      %dma_wait3A_259 = arith.constant 0 : i32
      %dma_wait3A_260 = tpu.memref_slice %arg4[%sub3A_253, %mul3A_2, %dma_wait3A_259] : memref<50x4096x128xf32, #tpu.memory_space<hbm>> -> memref<1x128x128xf32, #tpu.memory_space<hbm>>
      %dma_wait3A_261 = tpu.memref_squeeze %dma_wait3A_260 : memref<1x128x128xf32, #tpu.memory_space<hbm>> -> memref<128x128xf32, #tpu.memory_space<hbm>>
      %dma_wait3A_262 = arith.constant 0 : i32
      %dma_wait3A_263 = tpu.memref_slice %arg4[%sub3A_253, %mul3A_2, %dma_wait3A_262] : memref<50x4096x128xf32, #tpu.memory_space<hbm>> -> memref<1x128x128xf32, #tpu.memory_space<hbm>>
      %dma_wait3A_264 = tpu.memref_squeeze %dma_wait3A_263 : memref<1x128x128xf32, #tpu.memory_space<hbm>> -> memref<128x128xf32, #tpu.memory_space<hbm>>
      %dma_wait3A_265 = arith.constant 0 : i32
      %dma_wait3A_266 = arith.constant 0 : i32
      %dma_wait3A_267 = tpu.memref_slice %arg6[%dma_wait3A_254, %dma_wait3A_265, %dma_wait3A_266] : memref<5x128x128xf32, #tpu.memory_space<vmem>> -> memref<1x128x128xf32, #tpu.memory_space<vmem>>
      %dma_wait3A_268 = tpu.memref_squeeze %dma_wait3A_267 : memref<1x128x128xf32, #tpu.memory_space<vmem>> -> memref<128x128xf32, #tpu.memory_space<vmem>>
      tpu.wait_dma2 semaphore(%arg14 : memref<!tpu.dma_semaphore, #tpu.memory_space<semaphore_mem>>) src(%dma_wait3A_268 : memref<128x128xf32, #tpu.memory_space<vmem>>) dst(%dma_wait3A_264 : memref<128x128xf32, #tpu.memory_space<hbm>>)
      %add3A_269 = arith.constant 5 : i32
      %add3A_270 = arith.addi %add3A_225, %add3A_269 : i32
      %sub3A_271 = arith.constant 1 : i32
      %sub3A_272 = arith.subi %add3A_270, %sub3A_271 : i32
      %lt3A_273 = arith.constant 50 : i32
      %lt3A_274 = arith.cmpi slt, %sub3A_272, %lt3A_273 : i32
      %convert_element_type3A_275 = arith.extui %lt3A_274 : i1 to i32
      %cond3A_276 = arith.constant 0 : i32
      %cond3A_277 = arith.cmpi ne, %convert_element_type3A_275, %cond3A_276 : i32
      scf.if %cond3A_277 {
        %add3A_334 = arith.constant 5 : i32
        %add3A_335 = arith.addi %add3A_225, %add3A_334 : i32
        %sub3A_336 = arith.constant 1 : i32
        %sub3A_337 = arith.subi %add3A_335, %sub3A_336 : i32
        %dma_start3A_338 = arith.constant 2 : i32
        %dma_start3A_339 = arith.constant 0 : i32
        %dma_start3A_340 = arith.constant 0 : i32
        %dma_start3A_341 = tpu.memref_slice %arg6[%dma_start3A_338, %dma_start3A_339, %dma_start3A_340] : memref<5x128x128xf32, #tpu.memory_space<vmem>> -> memref<1x128x128xf32, #tpu.memory_space<vmem>>
        %dma_start3A_342 = tpu.memref_squeeze %dma_start3A_341 : memref<1x128x128xf32, #tpu.memory_space<vmem>> -> memref<128x128xf32, #tpu.memory_space<vmem>>
        %dma_start3A_343 = arith.constant 0 : i32
        %dma_start3A_344 = tpu.memref_slice %arg5[%sub3A_337, %dma_start3A_343] : memref<50x128xi32, #tpu.memory_space<vmem>> -> memref<1x128xi32, #tpu.memory_space<vmem>>
        %dma_start3A_345 = tpu.memref_squeeze %dma_start3A_344 : memref<1x128xi32, #tpu.memory_space<vmem>> -> memref<128xi32, #tpu.memory_space<vmem>>
        %dma_start3A_346 = arith.constant 0 : i32
        %dma_start3A_347 = arith.constant 0 : i32
        %dma_start3A_348 = tpu.memref_slice %arg3[%dma_start3A_346, %dma_start3A_347] : memref<100000x128xf32, #tpu.memory_space<hbm>> -> memref<100000x128xf32, #tpu.memory_space<hbm>>
        tpu.enqueue_indirect_dma source(%dma_start3A_348 : memref<100000x128xf32, #tpu.memory_space<hbm>>) target(%dma_start3A_342 : memref<128x128xf32, #tpu.memory_space<vmem>>) offsets(%dma_start3A_345 : memref<128xi32, #tpu.memory_space<vmem>>) semaphore(%arg9 : memref<!tpu.dma_semaphore, #tpu.memory_space<semaphore_mem>>)
      } else {
      }
      %mul3A_278 = arith.constant 5 : i32
      %mul3A_279 = arith.muli %scan3A_70, %mul3A_278 : i32
      %add3A_280 = arith.constant 4 : i32
      %add3A_281 = arith.addi %mul3A_279, %add3A_280 : i32
      %dma_wait3A_282 = arith.constant 4 : i32
      %dma_wait3A_283 = arith.constant 0 : i32
      %dma_wait3A_284 = arith.constant 0 : i32
      %dma_wait3A_285 = tpu.memref_slice %arg6[%dma_wait3A_282, %dma_wait3A_283, %dma_wait3A_284] : memref<5x128x128xf32, #tpu.memory_space<vmem>> -> memref<1x128x128xf32, #tpu.memory_space<vmem>>
      %dma_wait3A_286 = tpu.memref_squeeze %dma_wait3A_285 : memref<1x128x128xf32, #tpu.memory_space<vmem>> -> memref<128x128xf32, #tpu.memory_space<vmem>>
      %dma_wait3A_287 = arith.constant 0 : i32
      %dma_wait3A_288 = tpu.memref_slice %arg5[%add3A_281, %dma_wait3A_287] : memref<50x128xi32, #tpu.memory_space<vmem>> -> memref<1x128xi32, #tpu.memory_space<vmem>>
      %dma_wait3A_289 = tpu.memref_squeeze %dma_wait3A_288 : memref<1x128xi32, #tpu.memory_space<vmem>> -> memref<128xi32, #tpu.memory_space<vmem>>
      %dma_wait3A_290 = arith.constant 0 : i32
      %dma_wait3A_291 = arith.constant 0 : i32
      %dma_wait3A_292 = tpu.memref_slice %arg3[%dma_wait3A_290, %dma_wait3A_291] : memref<100000x128xf32, #tpu.memory_space<hbm>> -> memref<100000x128xf32, #tpu.memory_space<hbm>>
      tpu.wait_indirect_dma semaphore(%arg11 : memref<!tpu.dma_semaphore, #tpu.memory_space<semaphore_mem>>) src(%dma_wait3A_292 : memref<100000x128xf32, #tpu.memory_space<hbm>>) dst(%dma_wait3A_286 : memref<128x128xf32, #tpu.memory_space<vmem>>)
      %dma_start3A_293 = arith.constant 4 : i32
      %dma_start3A_294 = arith.constant 0 : i32
      %dma_start3A_295 = arith.constant 0 : i32
      %dma_start3A_296 = tpu.memref_slice %arg6[%dma_start3A_293, %dma_start3A_294, %dma_start3A_295] : memref<5x128x128xf32, #tpu.memory_space<vmem>> -> memref<1x128x128xf32, #tpu.memory_space<vmem>>
      %dma_start3A_297 = tpu.memref_squeeze %dma_start3A_296 : memref<1x128x128xf32, #tpu.memory_space<vmem>> -> memref<128x128xf32, #tpu.memory_space<vmem>>
      %dma_start3A_298 = arith.constant 0 : i32
      %dma_start3A_299 = tpu.memref_slice %arg4[%add3A_281, %mul3A_2, %dma_start3A_298] : memref<50x4096x128xf32, #tpu.memory_space<hbm>> -> memref<1x128x128xf32, #tpu.memory_space<hbm>>
      %dma_start3A_300 = tpu.memref_squeeze %dma_start3A_299 : memref<1x128x128xf32, #tpu.memory_space<hbm>> -> memref<128x128xf32, #tpu.memory_space<hbm>>
      %dma_start3A_301 = arith.constant 0 : i32
      %dma_start3A_302 = tpu.memref_slice %arg4[%add3A_281, %mul3A_2, %dma_start3A_301] : memref<50x4096x128xf32, #tpu.memory_space<hbm>> -> memref<1x128x128xf32, #tpu.memory_space<hbm>>
      %dma_start3A_303 = tpu.memref_squeeze %dma_start3A_302 : memref<1x128x128xf32, #tpu.memory_space<hbm>> -> memref<128x128xf32, #tpu.memory_space<hbm>>
      %dma_start3A_304 = arith.constant 0 : i32
      %dma_start3A_305 = arith.constant 0 : i32
      %dma_start3A_306 = tpu.memref_slice %arg6[%dma_start3A_293, %dma_start3A_304, %dma_start3A_305] : memref<5x128x128xf32, #tpu.memory_space<vmem>> -> memref<1x128x128xf32, #tpu.memory_space<vmem>>
      %dma_start3A_307 = tpu.memref_squeeze %dma_start3A_306 : memref<1x128x128xf32, #tpu.memory_space<vmem>> -> memref<128x128xf32, #tpu.memory_space<vmem>>
      tpu.enqueue_dma source(%dma_start3A_307 : memref<128x128xf32, #tpu.memory_space<vmem>>) target(%dma_start3A_303 : memref<128x128xf32, #tpu.memory_space<hbm>>) target_semaphore(%arg16 : memref<!tpu.dma_semaphore, #tpu.memory_space<semaphore_mem>>)
      %sub3A_308 = arith.constant 1 : i32
      %sub3A_309 = arith.subi %add3A_281, %sub3A_308 : i32
      %dma_wait3A_310 = arith.constant 3 : i32
      %dma_wait3A_311 = arith.constant 0 : i32
      %dma_wait3A_312 = arith.constant 0 : i32
      %dma_wait3A_313 = tpu.memref_slice %arg6[%dma_wait3A_310, %dma_wait3A_311, %dma_wait3A_312] : memref<5x128x128xf32, #tpu.memory_space<vmem>> -> memref<1x128x128xf32, #tpu.memory_space<vmem>>
      %dma_wait3A_314 = tpu.memref_squeeze %dma_wait3A_313 : memref<1x128x128xf32, #tpu.memory_space<vmem>> -> memref<128x128xf32, #tpu.memory_space<vmem>>
      %dma_wait3A_315 = arith.constant 0 : i32
      %dma_wait3A_316 = tpu.memref_slice %arg4[%sub3A_309, %mul3A_2, %dma_wait3A_315] : memref<50x4096x128xf32, #tpu.memory_space<hbm>> -> memref<1x128x128xf32, #tpu.memory_space<hbm>>
      %dma_wait3A_317 = tpu.memref_squeeze %dma_wait3A_316 : memref<1x128x128xf32, #tpu.memory_space<hbm>> -> memref<128x128xf32, #tpu.memory_space<hbm>>
      %dma_wait3A_318 = arith.constant 0 : i32
      %dma_wait3A_319 = tpu.memref_slice %arg4[%sub3A_309, %mul3A_2, %dma_wait3A_318] : memref<50x4096x128xf32, #tpu.memory_space<hbm>> -> memref<1x128x128xf32, #tpu.memory_space<hbm>>
      %dma_wait3A_320 = tpu.memref_squeeze %dma_wait3A_319 : memref<1x128x128xf32, #tpu.memory_space<hbm>> -> memref<128x128xf32, #tpu.memory_space<hbm>>
      %dma_wait3A_321 = arith.constant 0 : i32
      %dma_wait3A_322 = arith.constant 0 : i32
      %dma_wait3A_323 = tpu.memref_slice %arg6[%dma_wait3A_310, %dma_wait3A_321, %dma_wait3A_322] : memref<5x128x128xf32, #tpu.memory_space<vmem>> -> memref<1x128x128xf32, #tpu.memory_space<vmem>>
      %dma_wait3A_324 = tpu.memref_squeeze %dma_wait3A_323 : memref<1x128x128xf32, #tpu.memory_space<vmem>> -> memref<128x128xf32, #tpu.memory_space<vmem>>
      tpu.wait_dma2 semaphore(%arg15 : memref<!tpu.dma_semaphore, #tpu.memory_space<semaphore_mem>>) src(%dma_wait3A_324 : memref<128x128xf32, #tpu.memory_space<vmem>>) dst(%dma_wait3A_320 : memref<128x128xf32, #tpu.memory_space<hbm>>)
      %add3A_325 = arith.constant 5 : i32
      %add3A_326 = arith.addi %add3A_281, %add3A_325 : i32
      %sub3A_327 = arith.constant 1 : i32
      %sub3A_328 = arith.subi %add3A_326, %sub3A_327 : i32
      %lt3A_329 = arith.constant 50 : i32
      %lt3A_330 = arith.cmpi slt, %sub3A_328, %lt3A_329 : i32
      %convert_element_type3A_331 = arith.extui %lt3A_330 : i1 to i32
      %cond3A_332 = arith.constant 0 : i32
      %cond3A_333 = arith.cmpi ne, %convert_element_type3A_331, %cond3A_332 : i32
      scf.if %cond3A_333 {
        %add3A_334 = arith.constant 5 : i32
        %add3A_335 = arith.addi %add3A_281, %add3A_334 : i32
        %sub3A_336 = arith.constant 1 : i32
        %sub3A_337 = arith.subi %add3A_335, %sub3A_336 : i32
        %dma_start3A_338 = arith.constant 3 : i32
        %dma_start3A_339 = arith.constant 0 : i32
        %dma_start3A_340 = arith.constant 0 : i32
        %dma_start3A_341 = tpu.memref_slice %arg6[%dma_start3A_338, %dma_start3A_339, %dma_start3A_340] : memref<5x128x128xf32, #tpu.memory_space<vmem>> -> memref<1x128x128xf32, #tpu.memory_space<vmem>>
        %dma_start3A_342 = tpu.memref_squeeze %dma_start3A_341 : memref<1x128x128xf32, #tpu.memory_space<vmem>> -> memref<128x128xf32, #tpu.memory_space<vmem>>
        %dma_start3A_343 = arith.constant 0 : i32
        %dma_start3A_344 = tpu.memref_slice %arg5[%sub3A_337, %dma_start3A_343] : memref<50x128xi32, #tpu.memory_space<vmem>> -> memref<1x128xi32, #tpu.memory_space<vmem>>
        %dma_start3A_345 = tpu.memref_squeeze %dma_start3A_344 : memref<1x128xi32, #tpu.memory_space<vmem>> -> memref<128xi32, #tpu.memory_space<vmem>>
        %dma_start3A_346 = arith.constant 0 : i32
        %dma_start3A_347 = arith.constant 0 : i32
        %dma_start3A_348 = tpu.memref_slice %arg3[%dma_start3A_346, %dma_start3A_347] : memref<100000x128xf32, #tpu.memory_space<hbm>> -> memref<100000x128xf32, #tpu.memory_space<hbm>>
        tpu.enqueue_indirect_dma source(%dma_start3A_348 : memref<100000x128xf32, #tpu.memory_space<hbm>>) target(%dma_start3A_342 : memref<128x128xf32, #tpu.memory_space<vmem>>) offsets(%dma_start3A_345 : memref<128xi32, #tpu.memory_space<vmem>>) semaphore(%arg10 : memref<!tpu.dma_semaphore, #tpu.memory_space<semaphore_mem>>)
      } else {
      }
    }
    %scan3A_54 = arith.constant 10 : i32
    %dma_wait3A = arith.constant 4 : i32
    %dma_wait3A_55 = arith.constant 49 : i32
    %dma_wait3A_56 = arith.constant 0 : i32
    %dma_wait3A_57 = arith.constant 0 : i32
    %dma_wait3A_58 = tpu.memref_slice %arg6[%dma_wait3A, %dma_wait3A_56, %dma_wait3A_57] : memref<5x128x128xf32, #tpu.memory_space<vmem>> -> memref<1x128x128xf32, #tpu.memory_space<vmem>>
    %dma_wait3A_59 = tpu.memref_squeeze %dma_wait3A_58 : memref<1x128x128xf32, #tpu.memory_space<vmem>> -> memref<128x128xf32, #tpu.memory_space<vmem>>
    %dma_wait3A_60 = arith.constant 0 : i32
    %dma_wait3A_61 = tpu.memref_slice %arg4[%dma_wait3A_55, %mul3A_2, %dma_wait3A_60] : memref<50x4096x128xf32, #tpu.memory_space<hbm>> -> memref<1x128x128xf32, #tpu.memory_space<hbm>>
    %dma_wait3A_62 = tpu.memref_squeeze %dma_wait3A_61 : memref<1x128x128xf32, #tpu.memory_space<hbm>> -> memref<128x128xf32, #tpu.memory_space<hbm>>
    %dma_wait3A_63 = arith.constant 0 : i32
    %dma_wait3A_64 = tpu.memref_slice %arg4[%dma_wait3A_55, %mul3A_2, %dma_wait3A_63] : memref<50x4096x128xf32, #tpu.memory_space<hbm>> -> memref<1x128x128xf32, #tpu.memory_space<hbm>>
    %dma_wait3A_65 = tpu.memref_squeeze %dma_wait3A_64 : memref<1x128x128xf32, #tpu.memory_space<hbm>> -> memref<128x128xf32, #tpu.memory_space<hbm>>
    %dma_wait3A_66 = arith.constant 0 : i32
    %dma_wait3A_67 = arith.constant 0 : i32
    %dma_wait3A_68 = tpu.memref_slice %arg6[%dma_wait3A, %dma_wait3A_66, %dma_wait3A_67] : memref<5x128x128xf32, #tpu.memory_space<vmem>> -> memref<1x128x128xf32, #tpu.memory_space<vmem>>
    %dma_wait3A_69 = tpu.memref_squeeze %dma_wait3A_68 : memref<1x128x128xf32, #tpu.memory_space<vmem>> -> memref<128x128xf32, #tpu.memory_space<vmem>>
    tpu.wait_dma2 semaphore(%arg16 : memref<!tpu.dma_semaphore, #tpu.memory_space<semaphore_mem>>) src(%dma_wait3A_69 : memref<128x128xf32, #tpu.memory_space<vmem>>) dst(%dma_wait3A_65 : memref<128x128xf32, #tpu.memory_space<hbm>>)
    return
  }
}

</mosaic_0001>

<sc_bundles>
// kernel: kernel.3.cloned.1.call-start
scs
__scs_entry_jumppad:
0x0: {  	(pc) =	sbr.rel $0x88, $3  }
0x1: {  	(tag) =	ssettag $0x0;
	lr =	simm.s32 $0x1  }
0x2: {  	[smem:$0x3F9F] =	sst lr;
	_ =	strace $0xD0000000  }
0x3: {  	_ = 	snop  }
0x4: {  	_ = 	snop  }
0x5: {  	_ = 	snop  }
0x6: {  	_ = 	snop  }
0x7: {  	_ = 	snop  }
__scs_overlays_trampoline_lowered:
0x8: {  	[smem:$0x3FAE] =	sst s0  }
0x9: {  	[smem:$0x3FAF] =	sst s1  }
0xa: {  	[smem:$0x3FB0] =	sst s2  }
0xb: {  	[smem:$0x3FB1] =	sst s3  }
0xc: {  	[smem:$0x3FB2] =	sst s4  }
0xd: {  	[smem:$0x3FB3] =	sst s5  }
0xe: {  	[smem:$0x3FB4] =	sst s6  }
0xf: {  	[smem:$0x3FB5] =	sst s7  }
0x10: {  	[smem:$0x3FB6] =	sst s8  }
0x11: {  	[smem:$0x3FB7] =	sst s9;
	s0 =	simm.s32 @!p0 $0x0  }
0x12: {  	s1 =	sld [smem:$0x3F9D];
	s0 =	simm.s32 @p0 $0x1  }
0x13: {  	[smem:$0x3FB8] =	sst s0;
	s0 =	simm.s32 @!p1 $0x0  }
0x14: {  	s2 =	sld [smem:$0x3F9C];
	s0 =	simm.s32 @p1 $0x1  }
0x15: {  	[smem:$0x3FB9] =	sst s0;
	s0 =	simm.s32 @!p2 $0x0  }
0x16: {  	s3 =	sld [smem:$0x3FDB];
	s0 =	simm.s32 @p2 $0x1  }
0x17: {  	s4 =	simm.s32 $0x1BF5;
	[smem:$0x3FBB] =	sst s0  }
0x18: {  	s0 =	sld [smem:$0x3F9E];
	_ =	swait.ge [sflag:s4], $0x0  }
0x19: {  	s7 =	sld [smem:$0x3F9F]  }
0x1a: {  	s8 =	sadd.s32 $0xFFFFE003, lr  }
0x1b: {  	s9 =	sadd.s32 $0xFFFFFEF7, lr;
	s5 =	simm.s32 $0xFFFFFFFF;
	p2 =	slt.u32 s8, $0xFFFFF086  }
0x1c: {  	p1 =	slt.u32 s9, $0xF7A;
	s5 =	simm.s32 @!p2 $0x0  }
0x1d: {  	s5 =	simm.s32 @p1 $0x1;
	p0 =	seq.s32 s7, s2  }
0x1e: {  	s7 =	smul.u32 @!p0 $0xF7A, s2;
	p2 =	seq.s32 @!p0 s5, $0x0  }
0x1f: {  	s9 =	smul.u32 $0xF7A, s1;
	s8 =	simm.s32 @!p0 $0x1BF5;
	p2 =	por !p2, p0  }
0x20: {  	[sflag:s8] =	ssyncset.s32 @!p0 $0xFFFFF086;
	s6 =	sadd.s32 @!p0 s3, s7;
	s7 =	simm.s32 @!p0 $0x108  }
0x21: {  	s3 =	sadd.s32 s3, s9;
	s6 =	sadd.s32 @!p0 $0x88, s6;
	s7 =	simm.s32 @p2 $0x1082  }
0x22: {  	[simem:s7], [sflag:s8] =	dma.local @!p0 [hbm:s6], $0xF7A  }
0x23: {  	s9 =	sor.u32 $0xD0000000, s2;
	s6 =	simm.s32 $0x108;
	_ =	swait.ge @!p0 [sflag:s8], $0x0  }
0x24: {  	s3 =	sadd.s32 $0x88, s3;
	s6 =	simm.s32 @!p1 $0x1082;
	[sflag:s4] =	ssyncset.s32 $0xFFFFF086  }
0x25: {  	[simem:s6], [sflag:s4] =	dma.local [hbm:s3], $0xF7A  }
0x26: {  	[smem:$0x3F9F] =	sst s1;
	(tag) =	ssettag s2;
	_ =	strace s9  }
0x27: {  	s1 =	sld [smem:$0x3FAF]  }
0x28: {  	s2 =	sld [smem:$0x3FB0]  }
0x29: {  	s4 =	sld [smem:$0x3FB2]  }
0x2a: {  	p0 =	seq.s32 s5, $0x0;
	s5 =	sld [smem:$0x3FB3]  }
0x2b: {  	s6 =	sld [smem:$0x3FB4]  }
0x2c: {  	s7 =	sld [smem:$0x3FB5]  }
0x2d: {  	s3 =	simm.s32 $0x108;
	s8 =	sld [smem:$0x3FB6]  }
0x2e: {  	s3 =	simm.s32 @!p0 $0x1082;
	s9 =	sld [smem:$0x3FB7]  }
0x2f: {  	lr =	sadd.s32 s0, s3;
	s0 =	sld [smem:$0x3FAE]  }
0x30: {  	s3 =	sld [smem:$0x3FB1]  }
0x31: {  	[smem:$0x3FBA] =	sst s10  }
0x32: {  	s10 =	sld [smem:$0x3FB8];
	_ =	sdelay $0x3  }
0x33: {  	p0 =	seq.s32 s10, $0x1;
	s10 =	sld [smem:$0x3FBA];
	_ =	sdelay $0x3  }
0x34: {  	[smem:$0x3FBA] =	sst s10  }
0x35: {  	s10 =	sld [smem:$0x3FB9];
	_ =	sdelay $0x3  }
0x36: {  	p1 =	seq.s32 s10, $0x1;
	s10 =	sld [smem:$0x3FBA];
	_ =	sdelay $0x3  }
0x37: {  	[smem:$0x3FBA] =	sst s10  }
0x38: {  	s10 =	sld [smem:$0x3FBB]  }
0x39: {  	_ = 	snop;
	(pc) =	sbr.ind lr, $3  }
0x3a: {  	_ = 	snop  }
0x3b: {  	_ = 	snop  }
0x3c: {  	p2 =	seq.s32 s10, $0x1;
	s10 =	sld [smem:$0x3FBA]  }
0x3d: {  	_ =	shalt  }
0x3e: {  	_ =	shalt  }
0x3f: {  	_ =	shalt  }
0x40: {  	_ =	shalt  }
0x41: {  	_ =	shalt  }
0x42: {  	_ =	shalt  }
0x43: {  	_ =	shalt  }
0x44: {  	_ =	shalt  }
0x45: {  	_ =	shalt  }
0x46: {  	_ =	shalt  }
0x47: {  	_ =	shalt  }
0x48: {  	_ =	shalt  }
0x49: {  	_ =	shalt  }
0x4a: {  	_ =	shalt  }
0x4b: {  	_ =	shalt  }
0x4c: {  	_ =	shalt  }
0x4d: {  	_ =	shalt  }
0x4e: {  	_ =	shalt  }
0x4f: {  	_ =	shalt  }
0x50: {  	_ =	shalt  }
0x51: {  	_ =	shalt  }
0x52: {  	_ =	shalt  }
0x53: {  	_ =	shalt  }
0x54: {  	_ =	shalt  }
0x55: {  	_ =	shalt  }
0x56: {  	_ =	shalt  }
0x57: {  	_ =	shalt  }
0x58: {  	_ =	shalt  }
0x59: {  	_ =	shalt  }
0x5a: {  	_ =	shalt  }
0x5b: {  	_ =	shalt  }
0x5c: {  	_ =	shalt  }
0x5d: {  	_ =	shalt  }
0x5e: {  	_ =	shalt  }
0x5f: {  	_ =	shalt  }
0x60: {  	_ =	shalt  }
0x61: {  	_ =	shalt  }
0x62: {  	_ =	shalt  }
0x63: {  	_ =	shalt  }
0x64: {  	_ =	shalt  }
0x65: {  	_ =	shalt  }
0x66: {  	_ =	shalt  }
0x67: {  	_ =	shalt  }
0x68: {  	_ =	shalt  }
0x69: {  	_ =	shalt  }
0x6a: {  	_ =	shalt  }
0x6b: {  	_ =	shalt  }
0x6c: {  	_ =	shalt  }
0x6d: {  	_ =	shalt  }
0x6e: {  	_ =	shalt  }
0x6f: {  	_ =	shalt  }
0x70: {  	_ =	shalt  }
0x71: {  	_ =	shalt  }
0x72: {  	_ =	shalt  }
0x73: {  	_ =	shalt  }
0x74: {  	_ =	shalt  }
0x75: {  	_ =	shalt  }
0x76: {  	_ =	shalt  }
0x77: {  	_ =	shalt  }
0x78: {  	_ =	shalt  }
0x79: {  	_ =	shalt  }
0x7a: {  	_ =	shalt  }
0x7b: {  	_ =	shalt  }
0x7c: {  	_ =	shalt  }
0x7d: {  	_ =	shalt  }
0x7e: {  	_ =	shalt  }
0x7f: {  	_ =	shalt  }
0x80: {  	_ =	shalt  }
0x81: {  	_ =	shalt  }
0x82: {  	_ =	shalt  }
0x83: {  	_ =	shalt  }
0x84: {  	_ =	shalt  }
0x85: {  	_ =	shalt  }
0x86: {  	_ =	shalt  }
0x87: {  	_ =	shalt  }
.Lfunc_end0:
.L_simem_size_0:
called_computation_lowered:
.L_overlay_start_0:
0x88: {  	s2 =	sld [smem:$0x3FD9]  }
0x89: {  	s3 =	sld [smem:$0x3FFE];
	_ =	sdelay $0x1  }
0x8a: {  	s1 =	srdreg.scid  }
0x8b: {  	s0 =	sand.u32 $0x1, s1  }
0x8c: {  	s18 =	sshll.u32 s0, $0xA;
	s2 =	sadd.s32 s3, s2  }
0x8d: {  	s2 =	sadd.s32 s2, s18  }
0x8e: {  	[smem:$0x3FC6] =	sst s2  }
0x8f: {  	_ = 	snop  }
0x90: {  	s2 =	sld [smem:$0x3FC9]  }
0x91: {  	s19 =	sld [smem:$0x3FC8]  }
0x92: {  	s4 =	sld [smem:$0x3FD0];
	(tm) =	ssettm $0x1  }
0x93: {  	s5 =	sld [smem:$0x3FFB];
	_ =	sdelay $0x3  }
0x94: {  	_ =	strace s5  }
0x95: {  	s5 =	sld [smem:$0x3FFC];
	_ =	sdelay $0x3  }
0x96: {  	_ =	strace s5  }
0x97: {  	s5 =	sld [smem:$0x3FFD];
	_ =	sdelay $0x3  }
0x98: {  	_ =	strace s5  }
0x99: {  	_ =	strace $0x8FFFFFFF  }
0x9a: {  	s20 =	sld [smem:$0x3FDB];
	_ =	sdelay $0x1  }
0x9b: {  	s6 =	simm.s32 $_scs_section_size  }
0x9c: {  	s7 =	simm.s32 $_size__tile_overlayer_lowered;
	s8 =	simm.s32 $_tile_overlayer_lowered  }
0x9d: {  	s23 =	simm.s32 $0x1BFF;
	s22 =	sshll.u32 s8, $0x1;
	s5 =	sadd.s32 s6, s20  }
0x9e: {  	s9 =	simm.s32 $0x0;
	s21 =	sshll.u32 s7, $0x1;
	s7 =	sadd.s32 s22, s5  }
0x9f: {  	[timem:s9], [sflag:s23] =	dma.local [hbm:s7], s21  }
0xa0: {  	_ =	swait.ge [sflag:s23], s21  }
0xa1: {  	s6 =	ssub.s32 $0x0, s21;
	[sflag:s23] =	ssyncset.done $0x0  }
0xa2: {  	[sflag:s23] =	ssyncadd.s32 s6;
	_ =	sdelay $0x1  }
0xa3: {  	s24 =	simm.s32 $0x1B8B  }
0xa4: {  	_ =	swait.ge [sflag:s24], $0x1  }
0xa5: {  	[sflag:s24] =	ssyncset.done $0x0  }
0xa6: {  	s25 =	simm.s32 $0x1B8E;
	[sflag:s24] =	ssyncadd.s32 $0xFFFFFFFF  }
0xa7: {  	s26 =	simm.s32 $execute0_lowered;
	[smem:$0x3FD2] =	sst s25  }
0xa8: {  	s6 =	sshll.u32 s26, $0x1;
	_ =	strace $0x80000046;
	[dreg:$0x1] =	wrdreg $0xFFFFFFFF  }
0xa9: {  	s28 =	simm.s32 $_size_execute0_lowered;
	s5 =	sadd.s32 s5, s6;
	[dreg:$0x0] =	wrdreg $0x0  }
0xaa: {  	s6 =	sshll.u32 s28, $0x1;
	[dreg:$0x2] =	wrdreg s5  }
0xab: {  	[dreg:$0x3] =	wrdreg s6  }
0xac: {  	[dreg:$0x4] =	wrdreg $0xC0  }
0xad: {  	_ =	task [dreg:s9], $0x5FFFF  }
0xae: {  	[dreg:$0x1] =	wrdreg $0xFFFFFFFF  }
0xaf: {  	[dreg:$0x0] =	wrdreg $0x60  }
0xb0: {  	[dreg:$0x2] =	wrdreg s2  }
0xb1: {  	[dreg:$0x3] =	wrdreg s19  }
0xb2: {  	[dreg:$0x4] =	wrdreg s4  }
0xb3: {  	[dreg:$0x5] =	wrdreg $0x9  }
0xb4: {  	_ =	task.clear_ibuf [dreg:s9], $0x6FFFF;
	_ =	strace $0x90000046  }
0xb5: {  	s29 =	simm.s32 $0x9;
	_ =	strace $0x80000048  }
0xb6: {  	_ =	swait.ge [sflag:s29], $0x1  }
0xb7: {  	[sflag:s29] =	ssyncadd.s32 $0xFFFFFFFF  }
0xb8: {  	_ =	strace $0x90000048  }
0xb9: {  	_ =	sfence  }
0xba: {  	s30 =	sld [smem:$0x0];
	_ =	sdelay $0x2  }
0xbb: {  	s31 =	sshll.u32 s1, $0xD;
	s1 =	sshrl.u32 s1, $0x2  }
0xbc: {  	s3 =	sand.u32 $0x4000, s31;
	s1 =	sadd.s32 s1, s30  }
0xbd: {  	s0 =	sor.u32 s3, s0;
	s1 =	sshll.u32 s1, $0x11  }
0xbe: {  	s0 =	sor.u32 s1, s0  }
0xbf: {  	s0 =	sadd.s32 $0x8F2B, s0  }
0xc0: {  	[sflag:s0] =	ssyncadd.remote.s32 $0x1  }
0xc1: {  	_ =	sfence.sel $0xFFFF  }
0xc2: {  	[dreg:$0x0] =	wrdreg $0xFFFFFFFF;
	(pc) =	sbr.abs _section_cstart, $3  }
0xc3: {  	[dreg:$0x1] =	wrdreg $0xFFFFFFFF  }
0xc4: {  	_ =	task.clear_ibuf [dreg:s9], $0x2FFFF;
	_ =	strace $0x9FFFFFFF  }
0xc5: {  	(tm) =	ssettm $0x7FFFFFFF  }
tec
execute0_lowered:
.L_overlay_start_1:
0x0: {  	(tag) =	ssettag $0x1  }
0x1: {  	s0 =	rddreg [dreg:$0x0]  }
0x2: {  	s1 =	rddreg [dreg:$0x1]  }
0x3: {  	s3 =	rddreg [dreg:$0x2];
	s2 =	simm.s32 $0x0;
	s4 =	srdreg.scid  }
0x4: {  	s9 =	stileid.u32;
	s15 =	simm.s32 $0xB;
	s28 =	simm.s32 $0x3  }
0x5: {  	s29 =	simm.s32 $0x7;
	s30 =	simm.s32 $0x4;
	s31 =	simm.s32 $0x8  }
0x6: {  	s12 =	simm.s32 $0xA;
	s13 =	simm.s32 $0x0;
	[smem:$0x7FF] =	sst s2  }
0x7: {  	s4 =	sand.u32 $0x1, s4;
	s7 =	sshll.u32 s9, $0x8;
	s16 =	sshll.u32 s9, $0xF  }
0x8: {  	_ =	strace $0x80000047;
	s5 =	ssub.s32 $0x2, s4;
	s8 =	sshll.u32 s4, $0x7  }
0x9: {  	s4 =	sshll.u32 s4, $0xE;
	s6 =	sshrl.u32 s5, $0x1;
	s7 =	sor.u32 s8, s7  }
0xa: {  	s18 =	sor.u32 s4, s16;
	s16 =	simm.s32 $0x80;
	s5 =	ssub.s32 s5, s6  }
0xb: {  	s17 =	sadd.s32 s0, s7;
	s20 =	sor.u32 $0x180000, s18;
	s21 =	sor.u32 $0x100000, s18  }
0xc: {  	s24 =	sor.u32 $0x80000, s18;
	s25 =	sshrl.u32 s18, $0x3;
	s0 =	sor.u32 $0x200000, s18  }
0xd: {  	s18 =	simm.s32 $0x5C00;
	[dreg:$0x4] =	wrdreg s17;
	s19 =	sadd.s32 $0x6000, s17  }
0xe: {  	s5 =	smax.u32 s5, $0x1;
	s4 =	sshrl.u32 s20, $0x3;
	s22 =	sshrl.u32 s21, $0x3  }
0xf: {  	s26 =	sadd.s32 s25, s3;
	s0 =	sshrl.u32 s0, $0x3;
	[dreg:$0x5] =	wrdreg s19  }
0x10: {  	s17 =	simm.s32 $0x1C00;
	s20 =	simm.s32 $0x9C00;
	[dreg:$0x6] =	wrdreg s5  }
0x11: {  	s25 =	simm.s32 $0x2;
	s4 =	sadd.s32 s4, s3;
	[dreg:$0xa] =	wrdreg s26  }
.Ltmp0:
0x12: {  	s23 =	sadd.s32 s22, s3;
	[dreg:$0x7] =	wrdreg s4;
	(pc) =	sbr.rel .LBB2_1-.Ltmp0, $4  }
0x13: {  	s0 =	sadd.s32 s0, s3;
	s22 =	simm.s32 $0xDC00;
	[dreg:$0x8] =	wrdreg s23  }
0x14: {  	s26 =	simm.s32 $0x6;
	s4 =	sshrl.u32 s24, $0x3;
	[dreg:$0xb] =	wrdreg s0  }
0x15: {  	s23 =	simm.s32 $0x1;
	s24 =	simm.s32 $0x11C00;
	s4 =	sadd.s32 s4, s3  }
0x16: {  	s0 =	simm.s32 $0x5;
	s3 =	simm.s32 $0x9;
	[dreg:$0x9] =	wrdreg s4  }
.LBB2_4:
0x17: {  	_ =	swait.ge [sflag:s12], $0x4000  }
0x18: {  	s13 =	sadd.s32 $0x1, s13;
	s4 =	rddreg [dreg:$0x6]  }
0x19: {  	p0 =	sne.s32 s13, s4  }
.Ltmp1:
0x1a: {  	_ = 	snop;
	(pc) =	sbr.rel @!p0 .LBB2_5-.Ltmp1, $3  }
0x1b: {  	_ =	sdelay $0x1  }
0x1c: {  	[sflag:s12] =	ssyncset.done $0x0  }
0x1d: {  	[sflag:s12] =	ssyncadd.s32 $0xFFFFC000  }
.LBB2_1:
0x1e: {  	s4 =	rddreg [dreg:$0x4];
	s5 =	simm.s32 $0x400;
	s6 =	simm.s32 $0x8000  }
0x1f: {  	[tilespmem:s2], [sflag:$0xB] =	stream.strided.gather [hbm4b:s4+s5], $0x1800, s6, s5, $0x38;
	[tilespmem:$0x15C00] =	vst v63  }
0x20: {  	s11 =	rddreg [dreg:$0x5];
	s14 =	simm.s32 $0x1800  }
0x21: {  	[tilespmem:s14], [sflag:$0xB] =	stream.linear.gather [hbm4b:s11+s2], $0x100, $0x38;
	[tilespmem:$0x15C00] =	vst v63  }
0x22: {  	_ =	swait.ge [sflag:s15], $0x1900  }
0x23: {  	[sflag:s15] =	ssyncset.done $0x0;
	s11 =	rddreg [dreg:$0xb]  }
0x24: {  	s10 =	rddreg [dreg:$0xa];
	[sflag:s15] =	ssyncadd.s32 $0xFFFFE700  }
0x25: {  	[tilespmem:s17], [sflag:$0x1] =	stream.indirect.gather [hbm4b:s1+s16], $0x80, s2, s16, $0xb8;
	[tilespmem:$0x15C00] =	vst v63  }
0x26: {  	s9 =	rddreg [dreg:$0x9]  }
0x27: {  	[tilespmem:s18], [sflag:$0x2] =	stream.indirect.gather [hbm4b:s1+s16], $0x80, s16, s16, $0xb8;
	[tilespmem:$0x15C00] =	vst v63  }
0x28: {  	s19 =	simm.s32 $0x100;
	s8 =	rddreg [dreg:$0x8]  }
0x29: {  	[tilespmem:s20], [sflag:$0x3] =	stream.indirect.gather [hbm4b:s1+s16], $0x80, s19, s16, $0xb8;
	[tilespmem:$0x15C00] =	vst v63  }
0x2a: {  	s21 =	simm.s32 $0x180;
	s6 =	simm.s32 $0x0;
	s7 =	rddreg [dreg:$0x7]  }
0x2b: {  	[tilespmem:s22], [sflag:$0x4] =	stream.indirect.gather [hbm4b:s1+s16], $0x80, s21, s16, $0xb8;
	[tilespmem:$0x15C00] =	vst v63  }
.LBB2_2:
0x2c: {  	_ =	swait.ge [sflag:s23], $0x4000  }
0x2d: {  	p0 =	seq.s32 s6, $0x0;
	[sflag:s23] =	ssyncset.done $0x0  }
0x2e: {  	s5 =	simm.s32 @!p0 $0xA;
	[sflag:s23] =	ssyncadd.s32 $0xFFFFC000  }
0x2f: {  	[hbm4b:s10+s2] =	stream.linear.scatter [tilespmem:s17], [sflag:$0x6], $0x4000, $0x38;
	[tilespmem:$0x15C00] =	vst v63  }
0x30: {  	_ =	swait.ge @!p0 [sflag:s5], $0x4000  }
0x31: {  	s4 =	sshra.s32 s6, $0x2;
	[sflag:s5] =	ssyncset.done @!p0 $0x0  }
0x32: {  	s21 =	sadd.s32 $0x200, s4;
	[sflag:s5] =	ssyncadd.s32 @!p0 $0xFFFFC000  }
0x33: {  	[tilespmem:s24], [sflag:$0x5] =	stream.indirect.gather [hbm4b:s1+s16], $0x80, s21, s16, $0xb8;
	[tilespmem:$0x15C00] =	vst v63  }
0x34: {  	_ =	swait.ge [sflag:s25], $0x4000  }
0x35: {  	[sflag:s25] =	ssyncset.done $0x0  }
0x36: {  	[sflag:s25] =	ssyncadd.s32 $0xFFFFC000  }
0x37: {  	[hbm4b:s9+s2] =	stream.linear.scatter [tilespmem:s18], [sflag:$0x7], $0x4000, $0x38;
	[tilespmem:$0x15C00] =	vst v63  }
0x38: {  	p0 =	seq.s32 s6, $0x5A00;
	_ =	swait.ge [sflag:s26], $0x4000  }
0x39: {  	s5 =	sshra.s32 @!p0 s6, $0x2;
	s19 =	simm.s32 @!p0 $0x80;
	[sflag:s26] =	ssyncset.done $0x0  }
0x3a: {  	s14 =	simm.s32 @!p0 $0x1C00;
	s21 =	sadd.s32 @!p0 $0x280, s5;
	[sflag:s26] =	ssyncadd.s32 $0xFFFFC000  }
0x3b: {  	[tilespmem:s14], [sflag:$0x1] =	stream.indirect.gather @!p0 [hbm4b:s1+s19], $0x80, s21, s19, $0xb8;
	[tilespmem:$0x15C00] =	vst v63  }
0x3c: {  	_ =	swait.ge [sflag:s28], $0x4000  }
0x3d: {  	[sflag:s28] =	ssyncset.done $0x0  }
0x3e: {  	[sflag:s28] =	ssyncadd.s32 $0xFFFFC000  }
0x3f: {  	[hbm4b:s8+s2] =	stream.linear.scatter [tilespmem:s20], [sflag:$0x8], $0x4000, $0x38;
	[tilespmem:$0x15C00] =	vst v63  }
0x40: {  	_ =	swait.ge [sflag:s29], $0x4000  }
0x41: {  	[sflag:s29] =	ssyncset.done $0x0  }
0x42: {  	s14 =	sadd.s32 @!p0 $0x300, s5;
	s21 =	simm.s32 @!p0 $0x5C00;
	[sflag:s29] =	ssyncadd.s32 $0xFFFFC000  }
0x43: {  	[tilespmem:s21], [sflag:$0x2] =	stream.indirect.gather @!p0 [hbm4b:s1+s19], $0x80, s14, s19, $0xb8;
	[tilespmem:$0x15C00] =	vst v63  }
0x44: {  	_ =	swait.ge [sflag:s30], $0x4000  }
0x45: {  	[sflag:s30] =	ssyncset.done $0x0  }
0x46: {  	[sflag:s30] =	ssyncadd.s32 $0xFFFFC000  }
0x47: {  	[hbm4b:s7+s2] =	stream.linear.scatter [tilespmem:s22], [sflag:$0x9], $0x4000, $0x38;
	[tilespmem:$0x15C00] =	vst v63  }
0x48: {  	_ =	swait.ge [sflag:s31], $0x4000  }
0x49: {  	[sflag:s31] =	ssyncset.done $0x0  }
0x4a: {  	s5 =	sadd.s32 @!p0 $0x380, s5;
	s14 =	simm.s32 @!p0 $0x9C00;
	[sflag:s31] =	ssyncadd.s32 $0xFFFFC000  }
0x4b: {  	[tilespmem:s14], [sflag:$0x3] =	stream.indirect.gather @!p0 [hbm4b:s1+s19], $0x80, s5, s19, $0xb8;
	[tilespmem:$0x15C00] =	vst v63  }
0x4c: {  	_ =	swait.ge [sflag:s0], $0x4000  }
0x4d: {  	[sflag:s0] =	ssyncset.done $0x0  }
.Ltmp2:
0x4e: {  	[sflag:s0] =	ssyncadd.s32 $0xFFFFC000;
	(pc) =	sbr.rel @p0 .LBB2_4-.Ltmp2, $4  }
0x4f: {  	[hbm4b:s11+s2] =	stream.linear.scatter [tilespmem:s24], [sflag:$0xA], $0x4000, $0x38;
	[tilespmem:$0x15C00] =	vst v63  }
0x50: {  	_ =	swait.ge [sflag:s3], $0x4000  }
0x51: {  	[sflag:s3] =	ssyncset.done $0x0  }
0x52: {  	[sflag:s3] =	ssyncadd.s32 $0xFFFFC000  }
.Ltmp3:
0x53: {  	(pc) =	sbr.rel .LBB2_2-.Ltmp3, $4  }
0x54: {  	s4 =	sadd.s32 $0x400, s4  }
0x55: {  	s6 =	sadd.s32 $0xA00, s6;
	s7 =	sadd.s32 $0x50000, s7;
	s8 =	sadd.s32 $0x50000, s8  }
0x56: {  	s9 =	sadd.s32 $0x50000, s9;
	s10 =	sadd.s32 $0x50000, s10;
	s11 =	sadd.s32 $0x50000, s11  }
0x57: {  	[tilespmem:s22], [sflag:$0x4] =	stream.indirect.gather [hbm4b:s1+s16], $0x80, s4, s16, $0xb8;
	[tilespmem:$0x15C00] =	vst v63  }
.LBB2_5:
0x58: {  	_ =	sfence.sel $0x180000  }
0x59: {  	[bflag:$0x0] =	sbarrier.arrive $0xFFFF  }
0x5a: {  	_ =	strace $0x90000047  }
0x5b: {  	s0 =	stileid.u32;
	[bflag:$0x2] =	sbarrier.arrive $0xFFFF  }
0x5c: {  	p0 =	sne.s32 s0, $0x0;
	s0 =	rddreg [dreg:$0x3]  }
0x5d: {  	s0 =	sadd.s32 @!p0 $0x100000, s0  }
0x5e: {  	[sflag:s0] =	ssyncadd.tile.s32 @!p0 $0x1;
	_ =	shalt  }
.Lfunc_end2:
_tile_overlayer_lowered:
.L_overlay_start_2:
0x5f: {  	(tag) =	ssettag $0x2  }
0x60: {  	s0 =	rddreg [dreg:$0x0];
	s2 =	stileid.u32  }
0x61: {  	s1 =	rddreg [dreg:$0x1];
	p0 =	sne.s32 s2, $0x0  }
0x62: {  	s3 =	rddreg [dreg:$0x2];
	[bflag:$0x3] =	sbarrier.arrive $0xFFFF;
	s2 =	simm.s32 @!p0 $0x1C0B  }
0x63: {  	[timem:s3], [sflag:s2] =	dma.local @!p0 [hbm:s0], s1  }
0x64: {  	s0 =	simm.s32 @!p0 $0xB  }
0x65: {  	_ =	swait.ge @!p0 [sflag:s0], s1  }
0x66: {  	s1 =	ssub.s32 @!p0 $0x0, s1;
	[sflag:s0] =	ssyncset.done @!p0 $0x0  }
0x67: {  	[sflag:s0] =	ssyncadd.s32 @!p0 s1  }
0x68: {  	[bflag:$0x3] =	sbarrier.arrive $0xFFFF  }
0x69: {  	_ =	shalt  }

</sc_bundles>
